<compile_context>
chip_gen: v7x
topology: tpu7x:2x2x1
jax: 0.10.2.dev20260603
libtpu: 0.0.44.dev20260713+nightly
codegen_flags: <defaults>
</compile_context>

<pallas_src>
import functools

import jax
import jax.numpy as jnp
from jax import lax
from jax.experimental import pallas as pl
from jax.experimental.pallas import tpu as pltpu
from jax.experimental.pallas import tpu_sc as plsc

N = 100000
K = 16
C_IN = 16
C_OUT = 64
C_MID = 16
ROW = 32

NK = N * K
NUM_WORKERS = 32
PER_W = NK // NUM_WORKERS
CHUNK = 1000
NCHUNK = PER_W // CHUNK

B = 2000
GRID = N // B


def _sc_gather(table, idx_flat):
    mesh = plsc.VectorSubcoreMesh(core_axis_name="c", subcore_axis_name="s")

    @functools.partial(
        pl.kernel,
        mesh=mesh,
        out_type=jax.ShapeDtypeStruct((NK, ROW), jnp.float32),
        scratch_types=[
            pltpu.VMEM((CHUNK,), jnp.int32),
            pltpu.VMEM((CHUNK,), jnp.int32),
            pltpu.VMEM((CHUNK, ROW), jnp.float32),
            pltpu.VMEM((CHUNK, ROW), jnp.float32),
            pltpu.SemaphoreType.DMA,
            pltpu.SemaphoreType.DMA,
            pltpu.SemaphoreType.DMA,
            pltpu.SemaphoreType.DMA,
        ],
        compiler_params=pltpu.CompilerParams(use_tc_tiling_on_sc=False),
    )
    def gather_kernel(table_hbm, idx_hbm, out_hbm,
                      idx0, idx1, rows0, rows1, gsem0, gsem1, wsem0, wsem1):
        wid = lax.axis_index("s") * 2 + lax.axis_index("c")
        base = pl.multiple_of(wid * PER_W, 8)
        idx_b = (idx0, idx1)
        rows_b = (rows0, rows1)
        gsem_b = (gsem0, gsem1)
        wsem_b = (wsem0, wsem1)

        for b in range(2):
            pltpu.sync_copy(idx_hbm.at[pl.ds(base + b * CHUNK, CHUNK)],
                            idx_b[b])
            pltpu.async_copy(table_hbm.at[idx_b[b]], rows_b[b], gsem_b[b])

        def body(i, carry):
            for b in range(2):
                j = 2 * i + b
                off = pl.multiple_of(base + j * CHUNK, 8)
                dst = out_hbm.at[pl.ds(off, CHUNK)]
                pltpu.make_async_copy(table_hbm.at[idx_b[b]], rows_b[b],
                                      gsem_b[b]).wait()
                pltpu.async_copy(rows_b[b], dst, wsem_b[b])

                @pl.when(j + 2 < NCHUNK)
                def _prefetch():
                    off2 = pl.multiple_of(off + 2 * CHUNK, 8)
                    pltpu.sync_copy(idx_hbm.at[pl.ds(off2, CHUNK)], idx_b[b])
                    pltpu.make_async_copy(rows_b[b], dst, wsem_b[b]).wait()
                    pltpu.async_copy(table_hbm.at[idx_b[b]], rows_b[b],
                                     gsem_b[b])

                @pl.when(j + 2 >= NCHUNK)
                def _drain():
                    pltpu.make_async_copy(rows_b[b], dst, wsem_b[b]).wait()
            return carry

        lax.fori_loop(0, NCHUNK // 2, body, 0)

    return gather_kernel(table, idx_flat)


def _tc_body(xyz_ref, g0_ref, g1_ref, g2_ref, g3_ref,
             d_ref, t_ref, w1_ref, b1_ref, w2_ref, b2_ref, w3_ref, b3_ref,
             e_ref, f_ref, lwt_ref, lb_ref,
             local_ref, out_ref):
    x = xyz_ref[...]
    f32 = jnp.float32
    qs = [r[:, 0, 0, :] for r in (g0_ref, g1_ref, g2_ref, g3_ref)]
    acc = -jnp.dot(x, t_ref[...], preferred_element_type=f32)
    for q in range(4):
        acc = acc + jnp.dot(qs[q], d_ref[q * 128:(q + 1) * 128, :],
                            preferred_element_type=f32)
    local = acc
    local_ref[...] = local

    h1 = jnp.maximum(jnp.dot(local, w1_ref[...], preferred_element_type=f32)
                     + b1_ref[...], 0.0)
    h2 = jnp.dot(h1, w2_ref[...], preferred_element_type=f32) + b2_ref[...]
    w = jnp.maximum(jnp.dot(h2, w3_ref[...], preferred_element_type=f32)
                    + b3_ref[...], 0.0)
    w_bf = w.astype(jnp.bfloat16)
    qs_bf = [q.astype(jnp.bfloat16) for q in qs]

    e = e_ref[...]
    f = f_ref[...]
    pre = jnp.zeros((B, C_IN * C_MID), f32)
    for k in range(K):
        gfk = qs_bf[k // 4][:, (k % 4) * ROW:(k % 4) * ROW + C_IN]
        wk = w_bf[:, k * C_MID:(k + 1) * C_MID]
        pre = pre + (jnp.dot(gfk, e, preferred_element_type=f32)
                     * jnp.dot(wk, f, preferred_element_type=f32))

    out = jnp.dot(pre, lwt_ref[...], preferred_element_type=f32) + lb_ref[...]
    out_ref[...] = jnp.maximum(out, 0.0)


def _tc_dense(xyz, g, d, t, w1b, b1b, w2b, b2b, w3b, b3b, e, f, lwt, lb2):
    full = lambda shape: pl.BlockSpec(shape, lambda i: (0, 0))
    row = lambda width: pl.BlockSpec((B, width), lambda i: (i, 0))
    return pl.pallas_call(
        _tc_body,
        grid=(GRID,),
        in_specs=[
            row(3),
            pl.BlockSpec((B, 1, 1, 128), lambda i: (i, 0, 0, 0)),
            pl.BlockSpec((B, 1, 1, 128), lambda i: (i, 1, 0, 0)),
            pl.BlockSpec((B, 1, 1, 128), lambda i: (i, 2, 0, 0)),
            pl.BlockSpec((B, 1, 1, 128), lambda i: (i, 3, 0, 0)),
            full((ROW * K, 3 * K)), full((3, 3 * K)),
            full((3 * K, 8 * K)), full((1, 8 * K)),
            full((8 * K, 8 * K)), full((1, 8 * K)),
            full((8 * K, C_MID * K)), full((1, C_MID * K)),
            full((C_IN, C_IN * C_MID)), full((C_MID, C_IN * C_MID)),
            full((C_IN * C_MID, C_OUT)), full((1, C_OUT)),
        ],
        out_specs=[
            pl.BlockSpec((B, 3 * K), lambda i: (i, 0)),
            pl.BlockSpec((B, C_OUT), lambda i: (i, 0)),
        ],
        out_shape=[
            jax.ShapeDtypeStruct((N, 3 * K), jnp.float32),
            jax.ShapeDtypeStruct((N, C_OUT), jnp.float32),
        ],
    )(xyz, g, g, g, g, d, t, w1b, b1b, w2b, b2b, w3b, b3b, e, f, lwt, lb2)


def kernel(dense_xyz, dense_feats, nei_inds,
           w1, b1, g1, be1, w2, b2, g2, be2, w3, b3, g3, be3, lw, lb):
    xyz = dense_xyz[0]
    feats = dense_feats[0]
    idx_flat = nei_inds[0].reshape(-1).astype(jnp.int32)
    table = jnp.concatenate(
        [feats, xyz, jnp.zeros((N, ROW - C_IN - 3), jnp.float32)], axis=1)

    grows = _sc_gather(table, idx_flat)
    g4d = grows.reshape(N, 4, 1, 128)

    inv = 1.0 / jnp.sqrt(1.0 + 1e-5)
    s1, s2, s3 = g1 * inv, g2 * inv, g3 * inv
    w1e = w1.T * s1[None, :]
    c1 = b1 * s1 + be1
    w2e = w2.T * s2[None, :]
    c2 = b2 * s2 + be2
    w3e = w3.T * s3[None, :]
    c3 = b3 * s3 + be3

    eyeK = jnp.eye(K, dtype=jnp.float32)
    w1b = jnp.kron(eyeK, w1e)
    w2b = jnp.kron(eyeK, w2e)
    w3b = jnp.kron(eyeK, w3e)
    b1b = jnp.tile(c1, K)[None, :]
    b2b = jnp.tile(c2, K)[None, :]
    b3b = jnp.tile(c3, K)[None, :]

    dk = jnp.zeros((ROW, 3), jnp.float32).at[C_IN:C_IN + 3, :].set(
        jnp.eye(3, dtype=jnp.float32))
    d = jnp.kron(eyeK, dk)
    t = jnp.tile(jnp.eye(3, dtype=jnp.float32), (1, K))
    e = jnp.kron(jnp.eye(C_IN, dtype=jnp.float32),
                 jnp.ones((1, C_MID), jnp.float32)
                 ).astype(jnp.bfloat16)
    f = jnp.tile(jnp.eye(C_MID, dtype=jnp.float32),
                 (1, C_IN)).astype(jnp.bfloat16)

    local48, new_feat = _tc_dense(xyz, g4d, d, t,
                                  w1b, b1b, w2b, b2b, w3b, b3b,
                                  e, f, lw.T, lb[None, :])
    return (new_feat[None], local48.reshape(1, N, K, 3))

# --- scband reference (transcript-rebuilt; emitter-appended) ---
"""Pipeline reference for scband-point-conv-simple-52905407152867 (READ-ONLY COPY).

The authoritative reference and input builder live on the scoring server;
editing this copy changes nothing except your own understanding.
"""

import jax, jax.numpy as jnp
import numpy as np

N = 100000
K = 16
C_IN = 16
C_OUT = 64
C_MID = 16


def _bn(x, g, b):
    # BatchNorm in eval mode with running_mean=0, running_var=1
    return g * (x / jnp.sqrt(1.0 + 1e-5)) + b


def setup_inputs(seed: int = 0) -> dict:
    key = jax.random.key(seed)
    ks = jax.random.split(key, 20)
    inp = {}
    inp["dense_xyz"] = jax.random.uniform(ks[0], (1, N, 3), dtype=jnp.float32)
    inp["dense_feats"] = jax.random.normal(ks[1], (1, N, C_IN), dtype=jnp.float32)
    inp["nei_inds"] = jax.random.randint(ks[2], (1, N, K), 0, N)
    # WeightNet params: 3 -> 8 (BN+ReLU) -> 8 (BN) -> 16 (BN+ReLU)
    inp["w1"] = jax.random.normal(ks[3], (8, 3), dtype=jnp.float32) * 0.2
    inp["b1"] = jnp.zeros((8,), dtype=jnp.float32)
    inp["g1"] = jnp.ones((8,), dtype=jnp.float32)
    inp["be1"] = jnp.zeros((8,), dtype=jnp.float32)
    inp["w2"] = jax.random.normal(ks[4], (8, 8), dtype=jnp.float32) * 0.2
    inp["b2"] = jnp.zeros((8,), dtype=jnp.float32)
    inp["g2"] = jnp.ones((8,), dtype=jnp.float32)
    inp["be2"] = jnp.zeros((8,), dtype=jnp.float32)
    inp["w3"] = jax.random.normal(ks[5], (C_MID, 8), dtype=jnp.float32) * 0.2
    inp["b3"] = jnp.zeros((C_MID,), dtype=jnp.float32)
    inp["g3"] = jnp.ones((C_MID,), dtype=jnp.float32)
    inp["be3"] = jnp.zeros((C_MID,), dtype=jnp.float32)
    # final linear: (C_IN * C_MID) -> C_OUT
    inp["lw"] = jax.random.normal(ks[6], (C_OUT, C_IN * C_MID), dtype=jnp.float32) * 0.05
    inp["lb"] = jnp.zeros((C_OUT,), dtype=jnp.float32)
    return inp


def _weightnet(local, w1, b1, g1, be1, w2, b2, g2, be2, w3, b3, g3, be3):
    h = jax.nn.relu(_bn(local @ w1.T + b1, g1, be1))
    h = _bn(h @ w2.T + b2, g2, be2)
    h = jax.nn.relu(_bn(h @ w3.T + b3, g3, be3))
    return h


def reference(dense_xyz, dense_feats, nei_inds, w1, b1, g1, be1, w2, b2, g2, be2, w3, b3, g3, be3, lw, lb):
    # batch size 1 packed representation; no subsampling (sparse_xyz=None -> N2 == N)
    xyz = dense_xyz[0]          # (N, 3)
    feats = dense_feats[0]      # (N, C_IN)
    idx = nei_inds[0]           # (N, K)
    gathered_xyz = xyz[idx]                     # (N, K, 3) gather
    local = gathered_xyz - xyz[:, None, :]      # relative coordinates (weightNetInput)
    weights = _weightnet(local, w1, b1, g1, be1, w2, b2, g2, be2, w3, b3, g3, be3)  # (N, K, C_MID)
    gathered_feat = feats[idx]                  # (N, K, C_IN) gather
    new_feat = jnp.einsum('nkc,nkm->ncm', gathered_feat, weights)  # (N, C_IN, C_MID)
    new_feat = new_feat.reshape(new_feat.shape[0], C_IN * C_MID)
    new_feat = new_feat @ lw.T + lb             # linear
    new_feat = jax.nn.relu(new_feat)            # act_layer (default ReLU); dropout_rate=0 -> identity
    return (new_feat[None], local[None])

if __name__ == "__main__":
    import jax
    _d = setup_inputs()
    print(jax.jit(kernel)(*tuple(_d.values())))

</pallas_src>

<mosaic_0001>
#map = affine_map<(d0, d1) -> (0, 0)>
#map1 = affine_map<(d0, d1) -> (0)>
module attributes {stable_mosaic.version = 14 : i64} {
  func.func @gather_kernel(%arg0: i32, %arg1: i32, %arg2: memref<100000x32xf32, #tpu.memory_space<hbm>>, %arg3: memref<1600000xi32, #tpu.memory_space<hbm>>, %arg4: memref<1600000x32xf32, #tpu.memory_space<hbm>>, %arg5: memref<1000xi32, #tpu.memory_space<vmem>>, %arg6: memref<1000xi32, #tpu.memory_space<vmem>>, %arg7: memref<1000x32xf32, #tpu.memory_space<vmem>>, %arg8: memref<1000x32xf32, #tpu.memory_space<vmem>>, %arg9: memref<!tpu.dma_semaphore, #tpu.memory_space<semaphore_mem>>, %arg10: memref<!tpu.dma_semaphore, #tpu.memory_space<semaphore_mem>>, %arg11: memref<!tpu.dma_semaphore, #tpu.memory_space<semaphore_mem>>, %arg12: memref<!tpu.dma_semaphore, #tpu.memory_space<semaphore_mem>>) attributes {dimension_semantics = [#tpu.dimension_semantics<core_parallel>, #tpu.dimension_semantics<subcore_parallel>], iteration_bounds = array<i64: 2, 16>, scalar_prefetch = 0 : i64, scratch_operands = 8 : i64, tpu.core_type = #tpu.core_type<sc_vector_subcore>, window_params = [{transform_indices = #map}, {transform_indices = #map1}, {transform_indices = #map}]} {
    %mul3A = arith.constant 2 : i32
    %mul3A_0 = arith.muli %arg1, %mul3A : i32
    %add3A = arith.addi %mul3A_0, %arg0 : i32
    %mul3A_1 = arith.constant 50000 : i32
    %mul3A_2 = arith.muli %add3A, %mul3A_1 : i32
    %multiple_of3A = tpu.assume_multiple %mul3A_2, 8 : i32
    %add3A_3 = arith.constant 0 : i32
    %add3A_4 = arith.addi %multiple_of3A, %add3A_3 : i32
    "tpu.region"() ({
      %run_scoped3A = tpu.sem_alloc : memref<!tpu.dma_semaphore, #tpu.memory_space<semaphore_mem>>
      %dma_start3A_17 = tpu.memref_slice %arg3[%add3A_4] : memref<1600000xi32, #tpu.memory_space<hbm>> -> memref<1000xi32, #tpu.memory_space<hbm>>
      %dma_start3A_18 = tpu.memref_slice %arg3[%add3A_4] : memref<1600000xi32, #tpu.memory_space<hbm>> -> memref<1000xi32, #tpu.memory_space<hbm>>
      tpu.enqueue_dma source(%dma_start3A_18 : memref<1000xi32, #tpu.memory_space<hbm>>) target(%arg5 : memref<1000xi32, #tpu.memory_space<vmem>>) target_semaphore(%run_scoped3A : memref<!tpu.dma_semaphore, #tpu.memory_space<semaphore_mem>>)
      %dma_wait3A = tpu.memref_slice %arg3[%add3A_4] : memref<1600000xi32, #tpu.memory_space<hbm>> -> memref<1000xi32, #tpu.memory_space<hbm>>
      %dma_wait3A_19 = tpu.memref_slice %arg3[%add3A_4] : memref<1600000xi32, #tpu.memory_space<hbm>> -> memref<1000xi32, #tpu.memory_space<hbm>>
      tpu.wait_dma2 semaphore(%run_scoped3A : memref<!tpu.dma_semaphore, #tpu.memory_space<semaphore_mem>>) src(%dma_wait3A_19 : memref<1000xi32, #tpu.memory_space<hbm>>) dst(%arg5 : memref<1000xi32, #tpu.memory_space<vmem>>)
      tpu.yield
    }) : () -> ()
    %dma_start3A = arith.constant 0 : i32
    %dma_start3A_5 = arith.constant 0 : i32
    %dma_start3A_6 = tpu.memref_slice %arg2[%dma_start3A, %dma_start3A_5] : memref<100000x32xf32, #tpu.memory_space<hbm>> -> memref<100000x32xf32, #tpu.memory_space<hbm>>
    tpu.enqueue_indirect_dma source(%dma_start3A_6 : memref<100000x32xf32, #tpu.memory_space<hbm>>) target(%arg7 : memref<1000x32xf32, #tpu.memory_space<vmem>>) offsets(%arg5 : memref<1000xi32, #tpu.memory_space<vmem>>) semaphore(%arg9 : memref<!tpu.dma_semaphore, #tpu.memory_space<semaphore_mem>>)
    %add3A_7 = arith.constant 1000 : i32
    %add3A_8 = arith.addi %multiple_of3A, %add3A_7 : i32
    "tpu.region"() ({
      %run_scoped3A = tpu.sem_alloc : memref<!tpu.dma_semaphore, #tpu.memory_space<semaphore_mem>>
      %dma_start3A_17 = tpu.memref_slice %arg3[%add3A_8] : memref<1600000xi32, #tpu.memory_space<hbm>> -> memref<1000xi32, #tpu.memory_space<hbm>>
      %dma_start3A_18 = tpu.memref_slice %arg3[%add3A_8] : memref<1600000xi32, #tpu.memory_space<hbm>> -> memref<1000xi32, #tpu.memory_space<hbm>>
      tpu.enqueue_dma source(%dma_start3A_18 : memref<1000xi32, #tpu.memory_space<hbm>>) target(%arg6 : memref<1000xi32, #tpu.memory_space<vmem>>) target_semaphore(%run_scoped3A : memref<!tpu.dma_semaphore, #tpu.memory_space<semaphore_mem>>)
      %dma_wait3A = tpu.memref_slice %arg3[%add3A_8] : memref<1600000xi32, #tpu.memory_space<hbm>> -> memref<1000xi32, #tpu.memory_space<hbm>>
      %dma_wait3A_19 = tpu.memref_slice %arg3[%add3A_8] : memref<1600000xi32, #tpu.memory_space<hbm>> -> memref<1000xi32, #tpu.memory_space<hbm>>
      tpu.wait_dma2 semaphore(%run_scoped3A : memref<!tpu.dma_semaphore, #tpu.memory_space<semaphore_mem>>) src(%dma_wait3A_19 : memref<1000xi32, #tpu.memory_space<hbm>>) dst(%arg6 : memref<1000xi32, #tpu.memory_space<vmem>>)
      tpu.yield
    }) : () -> ()
    %dma_start3A_9 = arith.constant 0 : i32
    %dma_start3A_10 = arith.constant 0 : i32
    %dma_start3A_11 = tpu.memref_slice %arg2[%dma_start3A_9, %dma_start3A_10] : memref<100000x32xf32, #tpu.memory_space<hbm>> -> memref<100000x32xf32, #tpu.memory_space<hbm>>
    tpu.enqueue_indirect_dma source(%dma_start3A_11 : memref<100000x32xf32, #tpu.memory_space<hbm>>) target(%arg8 : memref<1000x32xf32, #tpu.memory_space<vmem>>) offsets(%arg6 : memref<1000xi32, #tpu.memory_space<vmem>>) semaphore(%arg10 : memref<!tpu.dma_semaphore, #tpu.memory_space<semaphore_mem>>)
    %scan3A = arith.constant 0 : i32
    %scan3A_12 = arith.constant 0 : i32
    %scan3A_13 = arith.constant 25 : i32
    %scan3A_14 = arith.addi %scan3A_12, %scan3A_13 : i32
    %scan3A_15 = arith.constant 1 : i32
    scf.for %scan3A_17 = %scan3A_12 to %scan3A_14 step %scan3A_15  : i32 {
      %mul3A_18 = arith.constant 2 : i32
      %mul3A_19 = arith.muli %mul3A_18, %scan3A_17 : i32
      %add3A_20 = arith.constant 0 : i32
      %add3A_21 = arith.addi %mul3A_19, %add3A_20 : i32
      %mul3A_22 = arith.constant 1000 : i32
      %mul3A_23 = arith.muli %add3A_21, %mul3A_22 : i32
      %add3A_24 = arith.addi %multiple_of3A, %mul3A_23 : i32
      %multiple_of3A_25 = tpu.assume_multiple %add3A_24, 8 : i32
      %dma_wait3A = arith.constant 0 : i32
      %dma_wait3A_26 = arith.constant 0 : i32
      %dma_wait3A_27 = tpu.memref_slice %arg2[%dma_wait3A, %dma_wait3A_26] : memref<100000x32xf32, #tpu.memory_space<hbm>> -> memref<100000x32xf32, #tpu.memory_space<hbm>>
      tpu.wait_indirect_dma semaphore(%arg9 : memref<!tpu.dma_semaphore, #tpu.memory_space<semaphore_mem>>) src(%dma_wait3A_27 : memref<100000x32xf32, #tpu.memory_space<hbm>>) dst(%arg7 : memref<1000x32xf32, #tpu.memory_space<vmem>>)
      %dma_start3A_28 = arith.constant 0 : i32
      %dma_start3A_29 = tpu.memref_slice %arg4[%multiple_of3A_25, %dma_start3A_28] : memref<1600000x32xf32, #tpu.memory_space<hbm>> -> memref<1000x32xf32, #tpu.memory_space<hbm>>
      %dma_start3A_30 = arith.constant 0 : i32
      %dma_start3A_31 = tpu.memref_slice %arg4[%multiple_of3A_25, %dma_start3A_30] : memref<1600000x32xf32, #tpu.memory_space<hbm>> -> memref<1000x32xf32, #tpu.memory_space<hbm>>
      tpu.enqueue_dma source(%arg7 : memref<1000x32xf32, #tpu.memory_space<vmem>>) target(%dma_start3A_31 : memref<1000x32xf32, #tpu.memory_space<hbm>>) target_semaphore(%arg11 : memref<!tpu.dma_semaphore, #tpu.memory_space<semaphore_mem>>)
      %add3A_32 = arith.constant 2 : i32
      %add3A_33 = arith.addi %add3A_21, %add3A_32 : i32
      %lt3A = arith.constant 50 : i32
      %lt3A_34 = arith.cmpi slt, %add3A_33, %lt3A : i32
      %convert_element_type3A = arith.extui %lt3A_34 : i1 to i32
      %cond3A = arith.constant 0 : i32
      %cond3A_35 = arith.cmpi ne, %convert_element_type3A, %cond3A : i32
      scf.if %cond3A_35 {
        %add3A_71 = arith.constant 2000 : i32
        %add3A_72 = arith.addi %multiple_of3A_25, %add3A_71 : i32
        %multiple_of3A_73 = tpu.assume_multiple %add3A_72, 8 : i32
        "tpu.region"() ({
          %run_scoped3A = tpu.sem_alloc : memref<!tpu.dma_semaphore, #tpu.memory_space<semaphore_mem>>
          %dma_start3A_81 = tpu.memref_slice %arg3[%multiple_of3A_73] : memref<1600000xi32, #tpu.memory_space<hbm>> -> memref<1000xi32, #tpu.memory_space<hbm>>
          %dma_start3A_82 = tpu.memref_slice %arg3[%multiple_of3A_73] : memref<1600000xi32, #tpu.memory_space<hbm>> -> memref<1000xi32, #tpu.memory_space<hbm>>
          tpu.enqueue_dma source(%dma_start3A_82 : memref<1000xi32, #tpu.memory_space<hbm>>) target(%arg5 : memref<1000xi32, #tpu.memory_space<vmem>>) target_semaphore(%run_scoped3A : memref<!tpu.dma_semaphore, #tpu.memory_space<semaphore_mem>>)
          %dma_wait3A_83 = tpu.memref_slice %arg3[%multiple_of3A_73] : memref<1600000xi32, #tpu.memory_space<hbm>> -> memref<1000xi32, #tpu.memory_space<hbm>>
          %dma_wait3A_84 = tpu.memref_slice %arg3[%multiple_of3A_73] : memref<1600000xi32, #tpu.memory_space<hbm>> -> memref<1000xi32, #tpu.memory_space<hbm>>
          tpu.wait_dma2 semaphore(%run_scoped3A : memref<!tpu.dma_semaphore, #tpu.memory_space<semaphore_mem>>) src(%dma_wait3A_84 : memref<1000xi32, #tpu.memory_space<hbm>>) dst(%arg5 : memref<1000xi32, #tpu.memory_space<vmem>>)
          tpu.yield
        }) : () -> ()
        %dma_wait3A_74 = arith.constant 0 : i32
        %dma_wait3A_75 = tpu.memref_slice %arg4[%multiple_of3A_25, %dma_wait3A_74] : memref<1600000x32xf32, #tpu.memory_space<hbm>> -> memref<1000x32xf32, #tpu.memory_space<hbm>>
        %dma_wait3A_76 = arith.constant 0 : i32
        %dma_wait3A_77 = tpu.memref_slice %arg4[%multiple_of3A_25, %dma_wait3A_76] : memref<1600000x32xf32, #tpu.memory_space<hbm>> -> memref<1000x32xf32, #tpu.memory_space<hbm>>
        tpu.wait_dma2 semaphore(%arg11 : memref<!tpu.dma_semaphore, #tpu.memory_space<semaphore_mem>>) src(%arg7 : memref<1000x32xf32, #tpu.memory_space<vmem>>) dst(%dma_wait3A_77 : memref<1000x32xf32, #tpu.memory_space<hbm>>)
        %dma_start3A_78 = arith.constant 0 : i32
        %dma_start3A_79 = arith.constant 0 : i32
        %dma_start3A_80 = tpu.memref_slice %arg2[%dma_start3A_78, %dma_start3A_79] : memref<100000x32xf32, #tpu.memory_space<hbm>> -> memref<100000x32xf32, #tpu.memory_space<hbm>>
        tpu.enqueue_indirect_dma source(%dma_start3A_80 : memref<100000x32xf32, #tpu.memory_space<hbm>>) target(%arg7 : memref<1000x32xf32, #tpu.memory_space<vmem>>) offsets(%arg5 : memref<1000xi32, #tpu.memory_space<vmem>>) semaphore(%arg9 : memref<!tpu.dma_semaphore, #tpu.memory_space<semaphore_mem>>)
      } else {
      }
      %add3A_36 = arith.constant 2 : i32
      %add3A_37 = arith.addi %add3A_21, %add3A_36 : i32
      %ge3A = arith.constant 50 : i32
      %ge3A_38 = arith.cmpi sge, %add3A_37, %ge3A : i32
      %convert_element_type3A_39 = arith.extui %ge3A_38 : i1 to i32
      %cond3A_40 = arith.constant 0 : i32
      %cond3A_41 = arith.cmpi ne, %convert_element_type3A_39, %cond3A_40 : i32
      scf.if %cond3A_41 {
        %dma_wait3A_71 = arith.constant 0 : i32
        %dma_wait3A_72 = tpu.memref_slice %arg4[%multiple_of3A_25, %dma_wait3A_71] : memref<1600000x32xf32, #tpu.memory_space<hbm>> -> memref<1000x32xf32, #tpu.memory_space<hbm>>
        %dma_wait3A_73 = arith.constant 0 : i32
        %dma_wait3A_74 = tpu.memref_slice %arg4[%multiple_of3A_25, %dma_wait3A_73] : memref<1600000x32xf32, #tpu.memory_space<hbm>> -> memref<1000x32xf32, #tpu.memory_space<hbm>>
        tpu.wait_dma2 semaphore(%arg11 : memref<!tpu.dma_semaphore, #tpu.memory_space<semaphore_mem>>) src(%arg7 : memref<1000x32xf32, #tpu.memory_space<vmem>>) dst(%dma_wait3A_74 : memref<1000x32xf32, #tpu.memory_space<hbm>>)
      } else {
      }
      %mul3A_42 = arith.constant 2 : i32
      %mul3A_43 = arith.muli %mul3A_42, %scan3A_17 : i32
      %add3A_44 = arith.constant 1 : i32
      %add3A_45 = arith.addi %mul3A_43, %add3A_44 : i32
      %mul3A_46 = arith.constant 1000 : i32
      %mul3A_47 = arith.muli %add3A_45, %mul3A_46 : i32
      %add3A_48 = arith.addi %multiple_of3A, %mul3A_47 : i32
      %multiple_of3A_49 = tpu.assume_multiple %add3A_48, 8 : i32
      %dma_wait3A_50 = arith.constant 0 : i32
      %dma_wait3A_51 = arith.constant 0 : i32
      %dma_wait3A_52 = tpu.memref_slice %arg2[%dma_wait3A_50, %dma_wait3A_51] : memref<100000x32xf32, #tpu.memory_space<hbm>> -> memref<100000x32xf32, #tpu.memory_space<hbm>>
      tpu.wait_indirect_dma semaphore(%arg10 : memref<!tpu.dma_semaphore, #tpu.memory_space<semaphore_mem>>) src(%dma_wait3A_52 : memref<100000x32xf32, #tpu.memory_space<hbm>>) dst(%arg8 : memref<1000x32xf32, #tpu.memory_space<vmem>>)
      %dma_start3A_53 = arith.constant 0 : i32
      %dma_start3A_54 = tpu.memref_slice %arg4[%multiple_of3A_49, %dma_start3A_53] : memref<1600000x32xf32, #tpu.memory_space<hbm>> -> memref<1000x32xf32, #tpu.memory_space<hbm>>
      %dma_start3A_55 = arith.constant 0 : i32
      %dma_start3A_56 = tpu.memref_slice %arg4[%multiple_of3A_49, %dma_start3A_55] : memref<1600000x32xf32, #tpu.memory_space<hbm>> -> memref<1000x32xf32, #tpu.memory_space<hbm>>
      tpu.enqueue_dma source(%arg8 : memref<1000x32xf32, #tpu.memory_space<vmem>>) target(%dma_start3A_56 : memref<1000x32xf32, #tpu.memory_space<hbm>>) target_semaphore(%arg12 : memref<!tpu.dma_semaphore, #tpu.memory_space<semaphore_mem>>)
      %add3A_57 = arith.constant 2 : i32
      %add3A_58 = arith.addi %add3A_45, %add3A_57 : i32
      %lt3A_59 = arith.constant 50 : i32
      %lt3A_60 = arith.cmpi slt, %add3A_58, %lt3A_59 : i32
      %convert_element_type3A_61 = arith.extui %lt3A_60 : i1 to i32
      %cond3A_62 = arith.constant 0 : i32
      %cond3A_63 = arith.cmpi ne, %convert_element_type3A_61, %cond3A_62 : i32
      scf.if %cond3A_63 {
        %add3A_71 = arith.constant 2000 : i32
        %add3A_72 = arith.addi %multiple_of3A_49, %add3A_71 : i32
        %multiple_of3A_73 = tpu.assume_multiple %add3A_72, 8 : i32
        "tpu.region"() ({
          %run_scoped3A = tpu.sem_alloc : memref<!tpu.dma_semaphore, #tpu.memory_space<semaphore_mem>>
          %dma_start3A_81 = tpu.memref_slice %arg3[%multiple_of3A_73] : memref<1600000xi32, #tpu.memory_space<hbm>> -> memref<1000xi32, #tpu.memory_space<hbm>>
          %dma_start3A_82 = tpu.memref_slice %arg3[%multiple_of3A_73] : memref<1600000xi32, #tpu.memory_space<hbm>> -> memref<1000xi32, #tpu.memory_space<hbm>>
          tpu.enqueue_dma source(%dma_start3A_82 : memref<1000xi32, #tpu.memory_space<hbm>>) target(%arg6 : memref<1000xi32, #tpu.memory_space<vmem>>) target_semaphore(%run_scoped3A : memref<!tpu.dma_semaphore, #tpu.memory_space<semaphore_mem>>)
          %dma_wait3A_83 = tpu.memref_slice %arg3[%multiple_of3A_73] : memref<1600000xi32, #tpu.memory_space<hbm>> -> memref<1000xi32, #tpu.memory_space<hbm>>
          %dma_wait3A_84 = tpu.memref_slice %arg3[%multiple_of3A_73] : memref<1600000xi32, #tpu.memory_space<hbm>> -> memref<1000xi32, #tpu.memory_space<hbm>>
          tpu.wait_dma2 semaphore(%run_scoped3A : memref<!tpu.dma_semaphore, #tpu.memory_space<semaphore_mem>>) src(%dma_wait3A_84 : memref<1000xi32, #tpu.memory_space<hbm>>) dst(%arg6 : memref<1000xi32, #tpu.memory_space<vmem>>)
          tpu.yield
        }) : () -> ()
        %dma_wait3A_74 = arith.constant 0 : i32
        %dma_wait3A_75 = tpu.memref_slice %arg4[%multiple_of3A_49, %dma_wait3A_74] : memref<1600000x32xf32, #tpu.memory_space<hbm>> -> memref<1000x32xf32, #tpu.memory_space<hbm>>
        %dma_wait3A_76 = arith.constant 0 : i32
        %dma_wait3A_77 = tpu.memref_slice %arg4[%multiple_of3A_49, %dma_wait3A_76] : memref<1600000x32xf32, #tpu.memory_space<hbm>> -> memref<1000x32xf32, #tpu.memory_space<hbm>>
        tpu.wait_dma2 semaphore(%arg12 : memref<!tpu.dma_semaphore, #tpu.memory_space<semaphore_mem>>) src(%arg8 : memref<1000x32xf32, #tpu.memory_space<vmem>>) dst(%dma_wait3A_77 : memref<1000x32xf32, #tpu.memory_space<hbm>>)
        %dma_start3A_78 = arith.constant 0 : i32
        %dma_start3A_79 = arith.constant 0 : i32
        %dma_start3A_80 = tpu.memref_slice %arg2[%dma_start3A_78, %dma_start3A_79] : memref<100000x32xf32, #tpu.memory_space<hbm>> -> memref<100000x32xf32, #tpu.memory_space<hbm>>
        tpu.enqueue_indirect_dma source(%dma_start3A_80 : memref<100000x32xf32, #tpu.memory_space<hbm>>) target(%arg8 : memref<1000x32xf32, #tpu.memory_space<vmem>>) offsets(%arg6 : memref<1000xi32, #tpu.memory_space<vmem>>) semaphore(%arg10 : memref<!tpu.dma_semaphore, #tpu.memory_space<semaphore_mem>>)
      } else {
      }
      %add3A_64 = arith.constant 2 : i32
      %add3A_65 = arith.addi %add3A_45, %add3A_64 : i32
      %ge3A_66 = arith.constant 50 : i32
      %ge3A_67 = arith.cmpi sge, %add3A_65, %ge3A_66 : i32
      %convert_element_type3A_68 = arith.extui %ge3A_67 : i1 to i32
      %cond3A_69 = arith.constant 0 : i32
      %cond3A_70 = arith.cmpi ne, %convert_element_type3A_68, %cond3A_69 : i32
      scf.if %cond3A_70 {
        %dma_wait3A_71 = arith.constant 0 : i32
        %dma_wait3A_72 = tpu.memref_slice %arg4[%multiple_of3A_49, %dma_wait3A_71] : memref<1600000x32xf32, #tpu.memory_space<hbm>> -> memref<1000x32xf32, #tpu.memory_space<hbm>>
        %dma_wait3A_73 = arith.constant 0 : i32
        %dma_wait3A_74 = tpu.memref_slice %arg4[%multiple_of3A_49, %dma_wait3A_73] : memref<1600000x32xf32, #tpu.memory_space<hbm>> -> memref<1000x32xf32, #tpu.memory_space<hbm>>
        tpu.wait_dma2 semaphore(%arg12 : memref<!tpu.dma_semaphore, #tpu.memory_space<semaphore_mem>>) src(%arg8 : memref<1000x32xf32, #tpu.memory_space<vmem>>) dst(%dma_wait3A_74 : memref<1000x32xf32, #tpu.memory_space<hbm>>)
      } else {
      }
    }
    %scan3A_16 = arith.constant 25 : i32
    return
  }
}

module attributes {stable_mosaic.version = 14 : i64} {
  func.func @_tc_body(%arg0: i32, %arg1: memref<2000x3xf32, #tpu.memory_space<vmem>>, %arg2: memref<2000x1x1x128xf32, #tpu.memory_space<vmem>>, %arg3: memref<2000x1x1x128xf32, #tpu.memory_space<vmem>>, %arg4: memref<2000x1x1x128xf32, #tpu.memory_space<vmem>>, %arg5: memref<2000x1x1x128xf32, #tpu.memory_space<vmem>>, %arg6: memref<512x48xf32, #tpu.memory_space<vmem>>, %arg7: memref<3x48xf32, #tpu.memory_space<vmem>>, %arg8: memref<48x128xf32, #tpu.memory_space<vmem>>, %arg9: memref<1x128xf32, #tpu.memory_space<vmem>>, %arg10: memref<128x128xf32, #tpu.memory_space<vmem>>, %arg11: memref<1x128xf32, #tpu.memory_space<vmem>>, %arg12: memref<128x256xf32, #tpu.memory_space<vmem>>, %arg13: memref<1x256xf32, #tpu.memory_space<vmem>>, %arg14: memref<16x256xbf16, #tpu.memory_space<vmem>>, %arg15: memref<16x256xbf16, #tpu.memory_space<vmem>>, %arg16: memref<256x64xf32, #tpu.memory_space<vmem>>, %arg17: memref<1x64xf32, #tpu.memory_space<vmem>>, %arg18: memref<2000x48xf32, #tpu.memory_space<vmem>>, %arg19: memref<2000x64xf32, #tpu.memory_space<vmem>>) attributes {dimension_semantics = [#tpu.dimension_semantics<arbitrary>], iteration_bounds = array<i64: 50>, scalar_prefetch = 0 : i64, scratch_operands = 0 : i64, tpu.core_type = #tpu.core_type<tc>, window_params = [{transform_indices = @transform_0, window_bounds = array<i64: 2000, 3>}, {transform_indices = @transform_1, window_bounds = array<i64: 2000, 1, 1, 128>}, {transform_indices = @transform_2, window_bounds = array<i64: 2000, 1, 1, 128>}, {transform_indices = @transform_3, window_bounds = array<i64: 2000, 1, 1, 128>}, {transform_indices = @transform_4, window_bounds = array<i64: 2000, 1, 1, 128>}, {pipeline_mode = #tpu.pipeline_mode<synchronous>, transform_indices = @transform_5, window_bounds = array<i64: 512, 48>}, {pipeline_mode = #tpu.pipeline_mode<synchronous>, transform_indices = @transform_6, window_bounds = array<i64: 3, 48>}, {pipeline_mode = #tpu.pipeline_mode<synchronous>, transform_indices = @transform_7, window_bounds = array<i64: 48, 128>}, {pipeline_mode = #tpu.pipeline_mode<synchronous>, transform_indices = @transform_8, window_bounds = array<i64: 1, 128>}, {pipeline_mode = #tpu.pipeline_mode<synchronous>, transform_indices = @transform_9, window_bounds = array<i64: 128, 128>}, {pipeline_mode = #tpu.pipeline_mode<synchronous>, transform_indices = @transform_10, window_bounds = array<i64: 1, 128>}, {pipeline_mode = #tpu.pipeline_mode<synchronous>, transform_indices = @transform_11, window_bounds = array<i64: 128, 256>}, {pipeline_mode = #tpu.pipeline_mode<synchronous>, transform_indices = @transform_12, window_bounds = array<i64: 1, 256>}, {pipeline_mode = #tpu.pipeline_mode<synchronous>, transform_indices = @transform_13, window_bounds = array<i64: 16, 256>}, {pipeline_mode = #tpu.pipeline_mode<synchronous>, transform_indices = @transform_14, window_bounds = array<i64: 16, 256>}, {pipeline_mode = #tpu.pipeline_mode<synchronous>, transform_indices = @transform_15, window_bounds = array<i64: 256, 64>}, {pipeline_mode = #tpu.pipeline_mode<synchronous>, transform_indices = @transform_16, window_bounds = array<i64: 1, 64>}, {transform_indices = @transform_17, window_bounds = array<i64: 2000, 48>}, {transform_indices = @transform_18, window_bounds = array<i64: 2000, 64>}]} {
    %get3A = arith.constant 0 : index
    %get3A_0 = arith.constant 0 : index
    %get3A_1 = vector.load %arg1[%get3A, %get3A_0] : memref<2000x3xf32, #tpu.memory_space<vmem>>, vector<2000x3xf32>
    %get3A_2 = arith.constant 0 : index
    %get3A_3 = arith.constant 0 : index
    %get3A_4 = arith.constant 0 : index
    %get3A_5 = arith.constant 0 : index
    %get3A_6 = vector.load %arg2[%get3A_2, %get3A_3, %get3A_4, %get3A_5] : memref<2000x1x1x128xf32, #tpu.memory_space<vmem>>, vector<2000x1x1x128xf32>
    %get3A_7 = vector.shape_cast %get3A_6 : vector<2000x1x1x128xf32> to vector<2000x128xf32>
    %get3A_8 = arith.constant 0 : index
    %get3A_9 = arith.constant 0 : index
    %get3A_10 = arith.constant 0 : index
    %get3A_11 = arith.constant 0 : index
    %get3A_12 = vector.load %arg3[%get3A_8, %get3A_9, %get3A_10, %get3A_11] : memref<2000x1x1x128xf32, #tpu.memory_space<vmem>>, vector<2000x1x1x128xf32>
    %get3A_13 = vector.shape_cast %get3A_12 : vector<2000x1x1x128xf32> to vector<2000x128xf32>
    %get3A_14 = arith.constant 0 : index
    %get3A_15 = arith.constant 0 : index
    %get3A_16 = arith.constant 0 : index
    %get3A_17 = arith.constant 0 : index
    %get3A_18 = vector.load %arg4[%get3A_14, %get3A_15, %get3A_16, %get3A_17] : memref<2000x1x1x128xf32, #tpu.memory_space<vmem>>, vector<2000x1x1x128xf32>
    %get3A_19 = vector.shape_cast %get3A_18 : vector<2000x1x1x128xf32> to vector<2000x128xf32>
    %get3A_20 = arith.constant 0 : index
    %get3A_21 = arith.constant 0 : index
    %get3A_22 = arith.constant 0 : index
    %get3A_23 = arith.constant 0 : index
    %get3A_24 = vector.load %arg5[%get3A_20, %get3A_21, %get3A_22, %get3A_23] : memref<2000x1x1x128xf32, #tpu.memory_space<vmem>>, vector<2000x1x1x128xf32>
    %get3A_25 = vector.shape_cast %get3A_24 : vector<2000x1x1x128xf32> to vector<2000x128xf32>
    %get3A_26 = arith.constant 0 : index
    %get3A_27 = arith.constant 0 : index
    %get3A_28 = vector.load %arg7[%get3A_26, %get3A_27] : memref<3x48xf32, #tpu.memory_space<vmem>>, vector<3x48xf32>
    %dot_general3A = arith.constant dense<0.000000e+00> : vector<2000x48xf32>
    %dot_general3A_29 = tpu.matmul %get3A_1, %get3A_28, %dot_general3A {dimension_numbers = #tpu.dot_dimension_numbers<[1], [0], [0], [1], [0, 0, 1, 1], [], []>, transpose_lhs_hint = false} : vector<2000x3xf32>, vector<3x48xf32>, vector<2000x48xf32> -> vector<2000x48xf32>
    %neg3A = arith.constant 0.000000e+00 : f32
    %neg3A_30 = vector.broadcast %neg3A : f32 to vector<2000x48xf32>
    %neg3A_31 = arith.subf %neg3A_30, %dot_general3A_29 : vector<2000x48xf32>
    %get3A_32 = arith.constant 0 : index
    %get3A_33 = arith.constant 0 : index
    %get3A_34 = vector.load %arg6[%get3A_32, %get3A_33] : memref<512x48xf32, #tpu.memory_space<vmem>>, vector<128x48xf32>
    %dot_general3A_35 = arith.constant dense<0.000000e+00> : vector<2000x48xf32>
    %dot_general3A_36 = tpu.matmul %get3A_7, %get3A_34, %dot_general3A_35 {dimension_numbers = #tpu.dot_dimension_numbers<[1], [0], [0], [1], [0, 0, 1, 1], [], []>, transpose_lhs_hint = false} : vector<2000x128xf32>, vector<128x48xf32>, vector<2000x48xf32> -> vector<2000x48xf32>
    %add3A = arith.addf %neg3A_31, %dot_general3A_36 : vector<2000x48xf32>
    %get3A_37 = arith.constant 128 : index
    %get3A_38 = arith.constant 0 : index
    %get3A_39 = vector.load %arg6[%get3A_37, %get3A_38] : memref<512x48xf32, #tpu.memory_space<vmem>>, vector<128x48xf32>
    %dot_general3A_40 = arith.constant dense<0.000000e+00> : vector<2000x48xf32>
    %dot_general3A_41 = tpu.matmul %get3A_13, %get3A_39, %dot_general3A_40 {dimension_numbers = #tpu.dot_dimension_numbers<[1], [0], [0], [1], [0, 0, 1, 1], [], []>, transpose_lhs_hint = false} : vector<2000x128xf32>, vector<128x48xf32>, vector<2000x48xf32> -> vector<2000x48xf32>
    %add3A_42 = arith.addf %add3A, %dot_general3A_41 : vector<2000x48xf32>
    %get3A_43 = arith.constant 256 : index
    %get3A_44 = arith.constant 0 : index
    %get3A_45 = vector.load %arg6[%get3A_43, %get3A_44] : memref<512x48xf32, #tpu.memory_space<vmem>>, vector<128x48xf32>
    %dot_general3A_46 = arith.constant dense<0.000000e+00> : vector<2000x48xf32>
    %dot_general3A_47 = tpu.matmul %get3A_19, %get3A_45, %dot_general3A_46 {dimension_numbers = #tpu.dot_dimension_numbers<[1], [0], [0], [1], [0, 0, 1, 1], [], []>, transpose_lhs_hint = false} : vector<2000x128xf32>, vector<128x48xf32>, vector<2000x48xf32> -> vector<2000x48xf32>
    %add3A_48 = arith.addf %add3A_42, %dot_general3A_47 : vector<2000x48xf32>
    %get3A_49 = arith.constant 384 : index
    %get3A_50 = arith.constant 0 : index
    %get3A_51 = vector.load %arg6[%get3A_49, %get3A_50] : memref<512x48xf32, #tpu.memory_space<vmem>>, vector<128x48xf32>
    %dot_general3A_52 = arith.constant dense<0.000000e+00> : vector<2000x48xf32>
    %dot_general3A_53 = tpu.matmul %get3A_25, %get3A_51, %dot_general3A_52 {dimension_numbers = #tpu.dot_dimension_numbers<[1], [0], [0], [1], [0, 0, 1, 1], [], []>, transpose_lhs_hint = false} : vector<2000x128xf32>, vector<128x48xf32>, vector<2000x48xf32> -> vector<2000x48xf32>
    %add3A_54 = arith.addf %add3A_48, %dot_general3A_53 : vector<2000x48xf32>
    %swap3A = arith.constant 0 : index
    %swap3A_55 = arith.constant 0 : index
    %swap3A_56 = vector.load %arg18[%swap3A, %swap3A_55] : memref<2000x48xf32, #tpu.memory_space<vmem>>, vector<2000x48xf32>
    tpu.vector_store %arg18[%swap3A, %swap3A_55], %add3A_54 {strides = array<i32>} : memref<2000x48xf32, #tpu.memory_space<vmem>>, vector<2000x48xf32>,
    %get3A_57 = arith.constant 0 : index
    %get3A_58 = arith.constant 0 : index
    %get3A_59 = vector.load %arg8[%get3A_57, %get3A_58] : memref<48x128xf32, #tpu.memory_space<vmem>>, vector<48x128xf32>
    %dot_general3A_60 = arith.constant dense<0.000000e+00> : vector<2000x128xf32>
    %dot_general3A_61 = tpu.matmul %add3A_54, %get3A_59, %dot_general3A_60 {dimension_numbers = #tpu.dot_dimension_numbers<[1], [0], [0], [1], [0, 0, 1, 1], [], []>, transpose_lhs_hint = false} : vector<2000x48xf32>, vector<48x128xf32>, vector<2000x128xf32> -> vector<2000x128xf32>
    %get3A_62 = arith.constant 0 : index
    %get3A_63 = arith.constant 0 : index
    %get3A_64 = vector.load %arg9[%get3A_62, %get3A_63] : memref<1x128xf32, #tpu.memory_space<vmem>>, vector<1x128xf32>
    %add3A_65 = vector.broadcast %get3A_64 : vector<1x128xf32> to vector<2000x128xf32>
    %add3A_66 = arith.addf %dot_general3A_61, %add3A_65 : vector<2000x128xf32>
    %max3A = arith.constant 0.000000e+00 : f32
    %max3A_67 = vector.broadcast %max3A : f32 to vector<2000x128xf32>
    %max3A_68 = arith.maximumf %add3A_66, %max3A_67 : vector<2000x128xf32>
    %get3A_69 = arith.constant 0 : index
    %get3A_70 = arith.constant 0 : index
    %get3A_71 = vector.load %arg10[%get3A_69, %get3A_70] : memref<128x128xf32, #tpu.memory_space<vmem>>, vector<128x128xf32>
    %dot_general3A_72 = arith.constant dense<0.000000e+00> : vector<2000x128xf32>
    %dot_general3A_73 = tpu.matmul %max3A_68, %get3A_71, %dot_general3A_72 {dimension_numbers = #tpu.dot_dimension_numbers<[1], [0], [0], [1], [0, 0, 1, 1], [], []>, transpose_lhs_hint = false} : vector<2000x128xf32>, vector<128x128xf32>, vector<2000x128xf32> -> vector<2000x128xf32>
    %get3A_74 = arith.constant 0 : index
    %get3A_75 = arith.constant 0 : index
    %get3A_76 = vector.load %arg11[%get3A_74, %get3A_75] : memref<1x128xf32, #tpu.memory_space<vmem>>, vector<1x128xf32>
    %add3A_77 = vector.broadcast %get3A_76 : vector<1x128xf32> to vector<2000x128xf32>
    %add3A_78 = arith.addf %dot_general3A_73, %add3A_77 : vector<2000x128xf32>
    %get3A_79 = arith.constant 0 : index
    %get3A_80 = arith.constant 0 : index
    %get3A_81 = vector.load %arg12[%get3A_79, %get3A_80] : memref<128x256xf32, #tpu.memory_space<vmem>>, vector<128x256xf32>
    %dot_general3A_82 = arith.constant dense<0.000000e+00> : vector<2000x256xf32>
    %dot_general3A_83 = tpu.matmul %add3A_78, %get3A_81, %dot_general3A_82 {dimension_numbers = #tpu.dot_dimension_numbers<[1], [0], [0], [1], [0, 0, 1, 1], [], []>, transpose_lhs_hint = false} : vector<2000x128xf32>, vector<128x256xf32>, vector<2000x256xf32> -> vector<2000x256xf32>
    %get3A_84 = arith.constant 0 : index
    %get3A_85 = arith.constant 0 : index
    %get3A_86 = vector.load %arg13[%get3A_84, %get3A_85] : memref<1x256xf32, #tpu.memory_space<vmem>>, vector<1x256xf32>
    %add3A_87 = vector.broadcast %get3A_86 : vector<1x256xf32> to vector<2000x256xf32>
    %add3A_88 = arith.addf %dot_general3A_83, %add3A_87 : vector<2000x256xf32>
    %max3A_89 = arith.constant 0.000000e+00 : f32
    %max3A_90 = vector.broadcast %max3A_89 : f32 to vector<2000x256xf32>
    %max3A_91 = arith.maximumf %add3A_88, %max3A_90 : vector<2000x256xf32>
    %convert_element_type3A = arith.truncf %max3A_91 : vector<2000x256xf32> to vector<2000x256xbf16>
    %convert_element_type3A_92 = arith.truncf %get3A_7 : vector<2000x128xf32> to vector<2000x128xbf16>
    %convert_element_type3A_93 = arith.truncf %get3A_13 : vector<2000x128xf32> to vector<2000x128xbf16>
    %convert_element_type3A_94 = arith.truncf %get3A_19 : vector<2000x128xf32> to vector<2000x128xbf16>
    %convert_element_type3A_95 = arith.truncf %get3A_25 : vector<2000x128xf32> to vector<2000x128xbf16>
    %get3A_96 = arith.constant 0 : index
    %get3A_97 = arith.constant 0 : index
    %get3A_98 = vector.load %arg14[%get3A_96, %get3A_97] : memref<16x256xbf16, #tpu.memory_space<vmem>>, vector<16x256xbf16>
    %get3A_99 = arith.constant 0 : index
    %get3A_100 = arith.constant 0 : index
    %get3A_101 = vector.load %arg15[%get3A_99, %get3A_100] : memref<16x256xbf16, #tpu.memory_space<vmem>>, vector<16x256xbf16>
    %broadcast_in_dim3A = arith.constant 0.000000e+00 : f32
    %broadcast_in_dim3A_102 = vector.broadcast %broadcast_in_dim3A : f32 to vector<2000x256xf32>
    %slice3A = vector.extract_strided_slice %convert_element_type3A_92 {offsets = [0, 0], sizes = [2000, 16], strides = [1, 1]} : vector<2000x128xbf16> to vector<2000x16xbf16>
    %slice3A_103 = vector.extract_strided_slice %convert_element_type3A {offsets = [0, 0], sizes = [2000, 16], strides = [1, 1]} : vector<2000x256xbf16> to vector<2000x16xbf16>
    %dot_general3A_104 = arith.constant dense<0.000000e+00> : vector<2000x256xf32>
    %dot_general3A_105 = tpu.matmul %slice3A, %get3A_98, %dot_general3A_104 {dimension_numbers = #tpu.dot_dimension_numbers<[1], [0], [0], [1], [0, 0, 1, 1], [], []>, transpose_lhs_hint = false} : vector<2000x16xbf16>, vector<16x256xbf16>, vector<2000x256xf32> -> vector<2000x256xf32>
    %dot_general3A_106 = arith.constant dense<0.000000e+00> : vector<2000x256xf32>
    %dot_general3A_107 = tpu.matmul %slice3A_103, %get3A_101, %dot_general3A_106 {dimension_numbers = #tpu.dot_dimension_numbers<[1], [0], [0], [1], [0, 0, 1, 1], [], []>, transpose_lhs_hint = false} : vector<2000x16xbf16>, vector<16x256xbf16>, vector<2000x256xf32> -> vector<2000x256xf32>
    %mul3A = arith.mulf %dot_general3A_105, %dot_general3A_107 : vector<2000x256xf32>
    %add3A_108 = arith.addf %broadcast_in_dim3A_102, %mul3A : vector<2000x256xf32>
    %slice3A_109 = vector.extract_strided_slice %convert_element_type3A_92 {offsets = [0, 32], sizes = [2000, 16], strides = [1, 1]} : vector<2000x128xbf16> to vector<2000x16xbf16>
    %slice3A_110 = vector.extract_strided_slice %convert_element_type3A {offsets = [0, 16], sizes = [2000, 16], strides = [1, 1]} : vector<2000x256xbf16> to vector<2000x16xbf16>
    %dot_general3A_111 = arith.constant dense<0.000000e+00> : vector<2000x256xf32>
    %dot_general3A_112 = tpu.matmul %slice3A_109, %get3A_98, %dot_general3A_111 {dimension_numbers = #tpu.dot_dimension_numbers<[1], [0], [0], [1], [0, 0, 1, 1], [], []>, transpose_lhs_hint = false} : vector<2000x16xbf16>, vector<16x256xbf16>, vector<2000x256xf32> -> vector<2000x256xf32>
    %dot_general3A_113 = arith.constant dense<0.000000e+00> : vector<2000x256xf32>
    %dot_general3A_114 = tpu.matmul %slice3A_110, %get3A_101, %dot_general3A_113 {dimension_numbers = #tpu.dot_dimension_numbers<[1], [0], [0], [1], [0, 0, 1, 1], [], []>, transpose_lhs_hint = false} : vector<2000x16xbf16>, vector<16x256xbf16>, vector<2000x256xf32> -> vector<2000x256xf32>
    %mul3A_115 = arith.mulf %dot_general3A_112, %dot_general3A_114 : vector<2000x256xf32>
    %add3A_116 = arith.addf %add3A_108, %mul3A_115 : vector<2000x256xf32>
    %slice3A_117 = vector.extract_strided_slice %convert_element_type3A_92 {offsets = [0, 64], sizes = [2000, 16], strides = [1, 1]} : vector<2000x128xbf16> to vector<2000x16xbf16>
    %slice3A_118 = vector.extract_strided_slice %convert_element_type3A {offsets = [0, 32], sizes = [2000, 16], strides = [1, 1]} : vector<2000x256xbf16> to vector<2000x16xbf16>
    %dot_general3A_119 = arith.constant dense<0.000000e+00> : vector<2000x256xf32>
    %dot_general3A_120 = tpu.matmul %slice3A_117, %get3A_98, %dot_general3A_119 {dimension_numbers = #tpu.dot_dimension_numbers<[1], [0], [0], [1], [0, 0, 1, 1], [], []>, transpose_lhs_hint = false} : vector<2000x16xbf16>, vector<16x256xbf16>, vector<2000x256xf32> -> vector<2000x256xf32>
    %dot_general3A_121 = arith.constant dense<0.000000e+00> : vector<2000x256xf32>
    %dot_general3A_122 = tpu.matmul %slice3A_118, %get3A_101, %dot_general3A_121 {dimension_numbers = #tpu.dot_dimension_numbers<[1], [0], [0], [1], [0, 0, 1, 1], [], []>, transpose_lhs_hint = false} : vector<2000x16xbf16>, vector<16x256xbf16>, vector<2000x256xf32> -> vector<2000x256xf32>
    %mul3A_123 = arith.mulf %dot_general3A_120, %dot_general3A_122 : vector<2000x256xf32>
    %add3A_124 = arith.addf %add3A_116, %mul3A_123 : vector<2000x256xf32>
    %slice3A_125 = vector.extract_strided_slice %convert_element_type3A_92 {offsets = [0, 96], sizes = [2000, 16], strides = [1, 1]} : vector<2000x128xbf16> to vector<2000x16xbf16>
    %slice3A_126 = vector.extract_strided_slice %convert_element_type3A {offsets = [0, 48], sizes = [2000, 16], strides = [1, 1]} : vector<2000x256xbf16> to vector<2000x16xbf16>
    %dot_general3A_127 = arith.constant dense<0.000000e+00> : vector<2000x256xf32>
    %dot_general3A_128 = tpu.matmul %slice3A_125, %get3A_98, %dot_general3A_127 {dimension_numbers = #tpu.dot_dimension_numbers<[1], [0], [0], [1], [0, 0, 1, 1], [], []>, transpose_lhs_hint = false} : vector<2000x16xbf16>, vector<16x256xbf16>, vector<2000x256xf32> -> vector<2000x256xf32>
    %dot_general3A_129 = arith.constant dense<0.000000e+00> : vector<2000x256xf32>
    %dot_general3A_130 = tpu.matmul %slice3A_126, %get3A_101, %dot_general3A_129 {dimension_numbers = #tpu.dot_dimension_numbers<[1], [0], [0], [1], [0, 0, 1, 1], [], []>, transpose_lhs_hint = false} : vector<2000x16xbf16>, vector<16x256xbf16>, vector<2000x256xf32> -> vector<2000x256xf32>
    %mul3A_131 = arith.mulf %dot_general3A_128, %dot_general3A_130 : vector<2000x256xf32>
    %add3A_132 = arith.addf %add3A_124, %mul3A_131 : vector<2000x256xf32>
    %slice3A_133 = vector.extract_strided_slice %convert_element_type3A_93 {offsets = [0, 0], sizes = [2000, 16], strides = [1, 1]} : vector<2000x128xbf16> to vector<2000x16xbf16>
    %slice3A_134 = vector.extract_strided_slice %convert_element_type3A {offsets = [0, 64], sizes = [2000, 16], strides = [1, 1]} : vector<2000x256xbf16> to vector<2000x16xbf16>
    %dot_general3A_135 = arith.constant dense<0.000000e+00> : vector<2000x256xf32>
    %dot_general3A_136 = tpu.matmul %slice3A_133, %get3A_98, %dot_general3A_135 {dimension_numbers = #tpu.dot_dimension_numbers<[1], [0], [0], [1], [0, 0, 1, 1], [], []>, transpose_lhs_hint = false} : vector<2000x16xbf16>, vector<16x256xbf16>, vector<2000x256xf32> -> vector<2000x256xf32>
    %dot_general3A_137 = arith.constant dense<0.000000e+00> : vector<2000x256xf32>
    %dot_general3A_138 = tpu.matmul %slice3A_134, %get3A_101, %dot_general3A_137 {dimension_numbers = #tpu.dot_dimension_numbers<[1], [0], [0], [1], [0, 0, 1, 1], [], []>, transpose_lhs_hint = false} : vector<2000x16xbf16>, vector<16x256xbf16>, vector<2000x256xf32> -> vector<2000x256xf32>
    %mul3A_139 = arith.mulf %dot_general3A_136, %dot_general3A_138 : vector<2000x256xf32>
    %add3A_140 = arith.addf %add3A_132, %mul3A_139 : vector<2000x256xf32>
    %slice3A_141 = vector.extract_strided_slice %convert_element_type3A_93 {offsets = [0, 32], sizes = [2000, 16], strides = [1, 1]} : vector<2000x128xbf16> to vector<2000x16xbf16>
    %slice3A_142 = vector.extract_strided_slice %convert_element_type3A {offsets = [0, 80], sizes = [2000, 16], strides = [1, 1]} : vector<2000x256xbf16> to vector<2000x16xbf16>
    %dot_general3A_143 = arith.constant dense<0.000000e+00> : vector<2000x256xf32>
    %dot_general3A_144 = tpu.matmul %slice3A_141, %get3A_98, %dot_general3A_143 {dimension_numbers = #tpu.dot_dimension_numbers<[1], [0], [0], [1], [0, 0, 1, 1], [], []>, transpose_lhs_hint = false} : vector<2000x16xbf16>, vector<16x256xbf16>, vector<2000x256xf32> -> vector<2000x256xf32>
    %dot_general3A_145 = arith.constant dense<0.000000e+00> : vector<2000x256xf32>
    %dot_general3A_146 = tpu.matmul %slice3A_142, %get3A_101, %dot_general3A_145 {dimension_numbers = #tpu.dot_dimension_numbers<[1], [0], [0], [1], [0, 0, 1, 1], [], []>, transpose_lhs_hint = false} : vector<2000x16xbf16>, vector<16x256xbf16>, vector<2000x256xf32> -> vector<2000x256xf32>
    %mul3A_147 = arith.mulf %dot_general3A_144, %dot_general3A_146 : vector<2000x256xf32>
    %add3A_148 = arith.addf %add3A_140, %mul3A_147 : vector<2000x256xf32>
    %slice3A_149 = vector.extract_strided_slice %convert_element_type3A_93 {offsets = [0, 64], sizes = [2000, 16], strides = [1, 1]} : vector<2000x128xbf16> to vector<2000x16xbf16>
    %slice3A_150 = vector.extract_strided_slice %convert_element_type3A {offsets = [0, 96], sizes = [2000, 16], strides = [1, 1]} : vector<2000x256xbf16> to vector<2000x16xbf16>
    %dot_general3A_151 = arith.constant dense<0.000000e+00> : vector<2000x256xf32>
    %dot_general3A_152 = tpu.matmul %slice3A_149, %get3A_98, %dot_general3A_151 {dimension_numbers = #tpu.dot_dimension_numbers<[1], [0], [0], [1], [0, 0, 1, 1], [], []>, transpose_lhs_hint = false} : vector<2000x16xbf16>, vector<16x256xbf16>, vector<2000x256xf32> -> vector<2000x256xf32>
    %dot_general3A_153 = arith.constant dense<0.000000e+00> : vector<2000x256xf32>
    %dot_general3A_154 = tpu.matmul %slice3A_150, %get3A_101, %dot_general3A_153 {dimension_numbers = #tpu.dot_dimension_numbers<[1], [0], [0], [1], [0, 0, 1, 1], [], []>, transpose_lhs_hint = false} : vector<2000x16xbf16>, vector<16x256xbf16>, vector<2000x256xf32> -> vector<2000x256xf32>
    %mul3A_155 = arith.mulf %dot_general3A_152, %dot_general3A_154 : vector<2000x256xf32>
    %add3A_156 = arith.addf %add3A_148, %mul3A_155 : vector<2000x256xf32>
    %slice3A_157 = vector.extract_strided_slice %convert_element_type3A_93 {offsets = [0, 96], sizes = [2000, 16], strides = [1, 1]} : vector<2000x128xbf16> to vector<2000x16xbf16>
    %slice3A_158 = vector.extract_strided_slice %convert_element_type3A {offsets = [0, 112], sizes = [2000, 16], strides = [1, 1]} : vector<2000x256xbf16> to vector<2000x16xbf16>
    %dot_general3A_159 = arith.constant dense<0.000000e+00> : vector<2000x256xf32>
    %dot_general3A_160 = tpu.matmul %slice3A_157, %get3A_98, %dot_general3A_159 {dimension_numbers = #tpu.dot_dimension_numbers<[1], [0], [0], [1], [0, 0, 1, 1], [], []>, transpose_lhs_hint = false} : vector<2000x16xbf16>, vector<16x256xbf16>, vector<2000x256xf32> -> vector<2000x256xf32>
    %dot_general3A_161 = arith.constant dense<0.000000e+00> : vector<2000x256xf32>
    %dot_general3A_162 = tpu.matmul %slice3A_158, %get3A_101, %dot_general3A_161 {dimension_numbers = #tpu.dot_dimension_numbers<[1], [0], [0], [1], [0, 0, 1, 1], [], []>, transpose_lhs_hint = false} : vector<2000x16xbf16>, vector<16x256xbf16>, vector<2000x256xf32> -> vector<2000x256xf32>
    %mul3A_163 = arith.mulf %dot_general3A_160, %dot_general3A_162 : vector<2000x256xf32>
    %add3A_164 = arith.addf %add3A_156, %mul3A_163 : vector<2000x256xf32>
    %slice3A_165 = vector.extract_strided_slice %convert_element_type3A_94 {offsets = [0, 0], sizes = [2000, 16], strides = [1, 1]} : vector<2000x128xbf16> to vector<2000x16xbf16>
    %slice3A_166 = vector.extract_strided_slice %convert_element_type3A {offsets = [0, 128], sizes = [2000, 16], strides = [1, 1]} : vector<2000x256xbf16> to vector<2000x16xbf16>
    %dot_general3A_167 = arith.constant dense<0.000000e+00> : vector<2000x256xf32>
    %dot_general3A_168 = tpu.matmul %slice3A_165, %get3A_98, %dot_general3A_167 {dimension_numbers = #tpu.dot_dimension_numbers<[1], [0], [0], [1], [0, 0, 1, 1], [], []>, transpose_lhs_hint = false} : vector<2000x16xbf16>, vector<16x256xbf16>, vector<2000x256xf32> -> vector<2000x256xf32>
    %dot_general3A_169 = arith.constant dense<0.000000e+00> : vector<2000x256xf32>
    %dot_general3A_170 = tpu.matmul %slice3A_166, %get3A_101, %dot_general3A_169 {dimension_numbers = #tpu.dot_dimension_numbers<[1], [0], [0], [1], [0, 0, 1, 1], [], []>, transpose_lhs_hint = false} : vector<2000x16xbf16>, vector<16x256xbf16>, vector<2000x256xf32> -> vector<2000x256xf32>
    %mul3A_171 = arith.mulf %dot_general3A_168, %dot_general3A_170 : vector<2000x256xf32>
    %add3A_172 = arith.addf %add3A_164, %mul3A_171 : vector<2000x256xf32>
    %slice3A_173 = vector.extract_strided_slice %convert_element_type3A_94 {offsets = [0, 32], sizes = [2000, 16], strides = [1, 1]} : vector<2000x128xbf16> to vector<2000x16xbf16>
    %slice3A_174 = vector.extract_strided_slice %convert_element_type3A {offsets = [0, 144], sizes = [2000, 16], strides = [1, 1]} : vector<2000x256xbf16> to vector<2000x16xbf16>
    %dot_general3A_175 = arith.constant dense<0.000000e+00> : vector<2000x256xf32>
    %dot_general3A_176 = tpu.matmul %slice3A_173, %get3A_98, %dot_general3A_175 {dimension_numbers = #tpu.dot_dimension_numbers<[1], [0], [0], [1], [0, 0, 1, 1], [], []>, transpose_lhs_hint = false} : vector<2000x16xbf16>, vector<16x256xbf16>, vector<2000x256xf32> -> vector<2000x256xf32>
    %dot_general3A_177 = arith.constant dense<0.000000e+00> : vector<2000x256xf32>
    %dot_general3A_178 = tpu.matmul %slice3A_174, %get3A_101, %dot_general3A_177 {dimension_numbers = #tpu.dot_dimension_numbers<[1], [0], [0], [1], [0, 0, 1, 1], [], []>, transpose_lhs_hint = false} : vector<2000x16xbf16>, vector<16x256xbf16>, vector<2000x256xf32> -> vector<2000x256xf32>
    %mul3A_179 = arith.mulf %dot_general3A_176, %dot_general3A_178 : vector<2000x256xf32>
    %add3A_180 = arith.addf %add3A_172, %mul3A_179 : vector<2000x256xf32>
    %slice3A_181 = vector.extract_strided_slice %convert_element_type3A_94 {offsets = [0, 64], sizes = [2000, 16], strides = [1, 1]} : vector<2000x128xbf16> to vector<2000x16xbf16>
    %slice3A_182 = vector.extract_strided_slice %convert_element_type3A {offsets = [0, 160], sizes = [2000, 16], strides = [1, 1]} : vector<2000x256xbf16> to vector<2000x16xbf16>
    %dot_general3A_183 = arith.constant dense<0.000000e+00> : vector<2000x256xf32>
    %dot_general3A_184 = tpu.matmul %slice3A_181, %get3A_98, %dot_general3A_183 {dimension_numbers = #tpu.dot_dimension_numbers<[1], [0], [0], [1], [0, 0, 1, 1], [], []>, transpose_lhs_hint = false} : vector<2000x16xbf16>, vector<16x256xbf16>, vector<2000x256xf32> -> vector<2000x256xf32>
    %dot_general3A_185 = arith.constant dense<0.000000e+00> : vector<2000x256xf32>
    %dot_general3A_186 = tpu.matmul %slice3A_182, %get3A_101, %dot_general3A_185 {dimension_numbers = #tpu.dot_dimension_numbers<[1], [0], [0], [1], [0, 0, 1, 1], [], []>, transpose_lhs_hint = false} : vector<2000x16xbf16>, vector<16x256xbf16>, vector<2000x256xf32> -> vector<2000x256xf32>
    %mul3A_187 = arith.mulf %dot_general3A_184, %dot_general3A_186 : vector<2000x256xf32>
    %add3A_188 = arith.addf %add3A_180, %mul3A_187 : vector<2000x256xf32>
    %slice3A_189 = vector.extract_strided_slice %convert_element_type3A_94 {offsets = [0, 96], sizes = [2000, 16], strides = [1, 1]} : vector<2000x128xbf16> to vector<2000x16xbf16>
    %slice3A_190 = vector.extract_strided_slice %convert_element_type3A {offsets = [0, 176], sizes = [2000, 16], strides = [1, 1]} : vector<2000x256xbf16> to vector<2000x16xbf16>
    %dot_general3A_191 = arith.constant dense<0.000000e+00> : vector<2000x256xf32>
    %dot_general3A_192 = tpu.matmul %slice3A_189, %get3A_98, %dot_general3A_191 {dimension_numbers = #tpu.dot_dimension_numbers<[1], [0], [0], [1], [0, 0, 1, 1], [], []>, transpose_lhs_hint = false} : vector<2000x16xbf16>, vector<16x256xbf16>, vector<2000x256xf32> -> vector<2000x256xf32>
    %dot_general3A_193 = arith.constant dense<0.000000e+00> : vector<2000x256xf32>
    %dot_general3A_194 = tpu.matmul %slice3A_190, %get3A_101, %dot_general3A_193 {dimension_numbers = #tpu.dot_dimension_numbers<[1], [0], [0], [1], [0, 0, 1, 1], [], []>, transpose_lhs_hint = false} : vector<2000x16xbf16>, vector<16x256xbf16>, vector<2000x256xf32> -> vector<2000x256xf32>
    %mul3A_195 = arith.mulf %dot_general3A_192, %dot_general3A_194 : vector<2000x256xf32>
    %add3A_196 = arith.addf %add3A_188, %mul3A_195 : vector<2000x256xf32>
    %slice3A_197 = vector.extract_strided_slice %convert_element_type3A_95 {offsets = [0, 0], sizes = [2000, 16], strides = [1, 1]} : vector<2000x128xbf16> to vector<2000x16xbf16>
    %slice3A_198 = vector.extract_strided_slice %convert_element_type3A {offsets = [0, 192], sizes = [2000, 16], strides = [1, 1]} : vector<2000x256xbf16> to vector<2000x16xbf16>
    %dot_general3A_199 = arith.constant dense<0.000000e+00> : vector<2000x256xf32>
    %dot_general3A_200 = tpu.matmul %slice3A_197, %get3A_98, %dot_general3A_199 {dimension_numbers = #tpu.dot_dimension_numbers<[1], [0], [0], [1], [0, 0, 1, 1], [], []>, transpose_lhs_hint = false} : vector<2000x16xbf16>, vector<16x256xbf16>, vector<2000x256xf32> -> vector<2000x256xf32>
    %dot_general3A_201 = arith.constant dense<0.000000e+00> : vector<2000x256xf32>
    %dot_general3A_202 = tpu.matmul %slice3A_198, %get3A_101, %dot_general3A_201 {dimension_numbers = #tpu.dot_dimension_numbers<[1], [0], [0], [1], [0, 0, 1, 1], [], []>, transpose_lhs_hint = false} : vector<2000x16xbf16>, vector<16x256xbf16>, vector<2000x256xf32> -> vector<2000x256xf32>
    %mul3A_203 = arith.mulf %dot_general3A_200, %dot_general3A_202 : vector<2000x256xf32>
    %add3A_204 = arith.addf %add3A_196, %mul3A_203 : vector<2000x256xf32>
    %slice3A_205 = vector.extract_strided_slice %convert_element_type3A_95 {offsets = [0, 32], sizes = [2000, 16], strides = [1, 1]} : vector<2000x128xbf16> to vector<2000x16xbf16>
    %slice3A_206 = vector.extract_strided_slice %convert_element_type3A {offsets = [0, 208], sizes = [2000, 16], strides = [1, 1]} : vector<2000x256xbf16> to vector<2000x16xbf16>
    %dot_general3A_207 = arith.constant dense<0.000000e+00> : vector<2000x256xf32>
    %dot_general3A_208 = tpu.matmul %slice3A_205, %get3A_98, %dot_general3A_207 {dimension_numbers = #tpu.dot_dimension_numbers<[1], [0], [0], [1], [0, 0, 1, 1], [], []>, transpose_lhs_hint = false} : vector<2000x16xbf16>, vector<16x256xbf16>, vector<2000x256xf32> -> vector<2000x256xf32>
    %dot_general3A_209 = arith.constant dense<0.000000e+00> : vector<2000x256xf32>
    %dot_general3A_210 = tpu.matmul %slice3A_206, %get3A_101, %dot_general3A_209 {dimension_numbers = #tpu.dot_dimension_numbers<[1], [0], [0], [1], [0, 0, 1, 1], [], []>, transpose_lhs_hint = false} : vector<2000x16xbf16>, vector<16x256xbf16>, vector<2000x256xf32> -> vector<2000x256xf32>
    %mul3A_211 = arith.mulf %dot_general3A_208, %dot_general3A_210 : vector<2000x256xf32>
    %add3A_212 = arith.addf %add3A_204, %mul3A_211 : vector<2000x256xf32>
    %slice3A_213 = vector.extract_strided_slice %convert_element_type3A_95 {offsets = [0, 64], sizes = [2000, 16], strides = [1, 1]} : vector<2000x128xbf16> to vector<2000x16xbf16>
    %slice3A_214 = vector.extract_strided_slice %convert_element_type3A {offsets = [0, 224], sizes = [2000, 16], strides = [1, 1]} : vector<2000x256xbf16> to vector<2000x16xbf16>
    %dot_general3A_215 = arith.constant dense<0.000000e+00> : vector<2000x256xf32>
    %dot_general3A_216 = tpu.matmul %slice3A_213, %get3A_98, %dot_general3A_215 {dimension_numbers = #tpu.dot_dimension_numbers<[1], [0], [0], [1], [0, 0, 1, 1], [], []>, transpose_lhs_hint = false} : vector<2000x16xbf16>, vector<16x256xbf16>, vector<2000x256xf32> -> vector<2000x256xf32>
    %dot_general3A_217 = arith.constant dense<0.000000e+00> : vector<2000x256xf32>
    %dot_general3A_218 = tpu.matmul %slice3A_214, %get3A_101, %dot_general3A_217 {dimension_numbers = #tpu.dot_dimension_numbers<[1], [0], [0], [1], [0, 0, 1, 1], [], []>, transpose_lhs_hint = false} : vector<2000x16xbf16>, vector<16x256xbf16>, vector<2000x256xf32> -> vector<2000x256xf32>
    %mul3A_219 = arith.mulf %dot_general3A_216, %dot_general3A_218 : vector<2000x256xf32>
    %add3A_220 = arith.addf %add3A_212, %mul3A_219 : vector<2000x256xf32>
    %slice3A_221 = vector.extract_strided_slice %convert_element_type3A_95 {offsets = [0, 96], sizes = [2000, 16], strides = [1, 1]} : vector<2000x128xbf16> to vector<2000x16xbf16>
    %slice3A_222 = vector.extract_strided_slice %convert_element_type3A {offsets = [0, 240], sizes = [2000, 16], strides = [1, 1]} : vector<2000x256xbf16> to vector<2000x16xbf16>
    %dot_general3A_223 = arith.constant dense<0.000000e+00> : vector<2000x256xf32>
    %dot_general3A_224 = tpu.matmul %slice3A_221, %get3A_98, %dot_general3A_223 {dimension_numbers = #tpu.dot_dimension_numbers<[1], [0], [0], [1], [0, 0, 1, 1], [], []>, transpose_lhs_hint = false} : vector<2000x16xbf16>, vector<16x256xbf16>, vector<2000x256xf32> -> vector<2000x256xf32>
    %dot_general3A_225 = arith.constant dense<0.000000e+00> : vector<2000x256xf32>
    %dot_general3A_226 = tpu.matmul %slice3A_222, %get3A_101, %dot_general3A_225 {dimension_numbers = #tpu.dot_dimension_numbers<[1], [0], [0], [1], [0, 0, 1, 1], [], []>, transpose_lhs_hint = false} : vector<2000x16xbf16>, vector<16x256xbf16>, vector<2000x256xf32> -> vector<2000x256xf32>
    %mul3A_227 = arith.mulf %dot_general3A_224, %dot_general3A_226 : vector<2000x256xf32>
    %add3A_228 = arith.addf %add3A_220, %mul3A_227 : vector<2000x256xf32>
    %get3A_229 = arith.constant 0 : index
    %get3A_230 = arith.constant 0 : index
    %get3A_231 = vector.load %arg16[%get3A_229, %get3A_230] : memref<256x64xf32, #tpu.memory_space<vmem>>, vector<256x64xf32>
    %dot_general3A_232 = arith.constant dense<0.000000e+00> : vector<2000x64xf32>
    %dot_general3A_233 = tpu.matmul %add3A_228, %get3A_231, %dot_general3A_232 {dimension_numbers = #tpu.dot_dimension_numbers<[1], [0], [0], [1], [0, 0, 1, 1], [], []>, transpose_lhs_hint = false} : vector<2000x256xf32>, vector<256x64xf32>, vector<2000x64xf32> -> vector<2000x64xf32>
    %get3A_234 = arith.constant 0 : index
    %get3A_235 = arith.constant 0 : index
    %get3A_236 = vector.load %arg17[%get3A_234, %get3A_235] : memref<1x64xf32, #tpu.memory_space<vmem>>, vector<1x64xf32>
    %add3A_237 = vector.broadcast %get3A_236 : vector<1x64xf32> to vector<2000x64xf32>
    %add3A_238 = arith.addf %dot_general3A_233, %add3A_237 : vector<2000x64xf32>
    %max3A_239 = arith.constant 0.000000e+00 : f32
    %max3A_240 = vector.broadcast %max3A_239 : f32 to vector<2000x64xf32>
    %max3A_241 = arith.maximumf %add3A_238, %max3A_240 : vector<2000x64xf32>
    %swap3A_242 = arith.constant 0 : index
    %swap3A_243 = arith.constant 0 : index
    %swap3A_244 = vector.load %arg19[%swap3A_242, %swap3A_243] : memref<2000x64xf32, #tpu.memory_space<vmem>>, vector<2000x64xf32>
    tpu.vector_store %arg19[%swap3A_242, %swap3A_243], %max3A_241 {strides = array<i32>} : memref<2000x64xf32, #tpu.memory_space<vmem>>, vector<2000x64xf32>,
    return
  }
  func.func @transform_0(%arg0: i32) -> (i32, i32) {
    %c0_i32 = arith.constant 0 : i32
    %c0_i32_0 = arith.constant 0 : i32
    return %arg0, %c0_i32 : i32, i32
  }
  func.func @transform_1(%arg0: i32) -> (i32, i32, i32, i32) {
    %c0_i32 = arith.constant 0 : i32
    %c0_i32_0 = arith.constant 0 : i32
    %c0_i32_1 = arith.constant 0 : i32
    %c0_i32_2 = arith.constant 0 : i32
    return %arg0, %c0_i32, %c0_i32_0, %c0_i32_1 : i32, i32, i32, i32
  }
  func.func @transform_2(%arg0: i32) -> (i32, i32, i32, i32) {
    %c1_i32 = arith.constant 1 : i32
    %c0_i32 = arith.constant 0 : i32
    %c0_i32_0 = arith.constant 0 : i32
    %c0_i32_1 = arith.constant 0 : i32
    return %arg0, %c1_i32, %c0_i32, %c0_i32_0 : i32, i32, i32, i32
  }
  func.func @transform_3(%arg0: i32) -> (i32, i32, i32, i32) {
    %c2_i32 = arith.constant 2 : i32
    %c0_i32 = arith.constant 0 : i32
    %c0_i32_0 = arith.constant 0 : i32
    %c0_i32_1 = arith.constant 0 : i32
    return %arg0, %c2_i32, %c0_i32, %c0_i32_0 : i32, i32, i32, i32
  }
  func.func @transform_4(%arg0: i32) -> (i32, i32, i32, i32) {
    %c3_i32 = arith.constant 3 : i32
    %c0_i32 = arith.constant 0 : i32
    %c0_i32_0 = arith.constant 0 : i32
    %c0_i32_1 = arith.constant 0 : i32
    return %arg0, %c3_i32, %c0_i32, %c0_i32_0 : i32, i32, i32, i32
  }
  func.func @transform_5(%arg0: i32) -> (i32, i32) {
    %c0_i32 = arith.constant 0 : i32
    %c0_i32_0 = arith.constant 0 : i32
    %c0_i32_1 = arith.constant 0 : i32
    return %c0_i32, %c0_i32_0 : i32, i32
  }
  func.func @transform_6(%arg0: i32) -> (i32, i32) {
    %c0_i32 = arith.constant 0 : i32
    %c0_i32_0 = arith.constant 0 : i32
    %c0_i32_1 = arith.constant 0 : i32
    return %c0_i32, %c0_i32_0 : i32, i32
  }
  func.func @transform_7(%arg0: i32) -> (i32, i32) {
    %c0_i32 = arith.constant 0 : i32
    %c0_i32_0 = arith.constant 0 : i32
    %c0_i32_1 = arith.constant 0 : i32
    return %c0_i32, %c0_i32_0 : i32, i32
  }
  func.func @transform_8(%arg0: i32) -> (i32, i32) {
    %c0_i32 = arith.constant 0 : i32
    %c0_i32_0 = arith.constant 0 : i32
    %c0_i32_1 = arith.constant 0 : i32
    return %c0_i32, %c0_i32_0 : i32, i32
  }
  func.func @transform_9(%arg0: i32) -> (i32, i32) {
    %c0_i32 = arith.constant 0 : i32
    %c0_i32_0 = arith.constant 0 : i32
    %c0_i32_1 = arith.constant 0 : i32
    return %c0_i32, %c0_i32_0 : i32, i32
  }
  func.func @transform_10(%arg0: i32) -> (i32, i32) {
    %c0_i32 = arith.constant 0 : i32
    %c0_i32_0 = arith.constant 0 : i32
    %c0_i32_1 = arith.constant 0 : i32
    return %c0_i32, %c0_i32_0 : i32, i32
  }
  func.func @transform_11(%arg0: i32) -> (i32, i32) {
    %c0_i32 = arith.constant 0 : i32
    %c0_i32_0 = arith.constant 0 : i32
    %c0_i32_1 = arith.constant 0 : i32
    return %c0_i32, %c0_i32_0 : i32, i32
  }
  func.func @transform_12(%arg0: i32) -> (i32, i32) {
    %c0_i32 = arith.constant 0 : i32
    %c0_i32_0 = arith.constant 0 : i32
    %c0_i32_1 = arith.constant 0 : i32
    return %c0_i32, %c0_i32_0 : i32, i32
  }
  func.func @transform_13(%arg0: i32) -> (i32, i32) {
    %c0_i32 = arith.constant 0 : i32
    %c0_i32_0 = arith.constant 0 : i32
    %c0_i32_1 = arith.constant 0 : i32
    return %c0_i32, %c0_i32_0 : i32, i32
  }
  func.func @transform_14(%arg0: i32) -> (i32, i32) {
    %c0_i32 = arith.constant 0 : i32
    %c0_i32_0 = arith.constant 0 : i32
    %c0_i32_1 = arith.constant 0 : i32
    return %c0_i32, %c0_i32_0 : i32, i32
  }
  func.func @transform_15(%arg0: i32) -> (i32, i32) {
    %c0_i32 = arith.constant 0 : i32
    %c0_i32_0 = arith.constant 0 : i32
    %c0_i32_1 = arith.constant 0 : i32
    return %c0_i32, %c0_i32_0 : i32, i32
  }
  func.func @transform_16(%arg0: i32) -> (i32, i32) {
    %c0_i32 = arith.constant 0 : i32
    %c0_i32_0 = arith.constant 0 : i32
    %c0_i32_1 = arith.constant 0 : i32
    return %c0_i32, %c0_i32_0 : i32, i32
  }
  func.func @transform_17(%arg0: i32) -> (i32, i32) {
    %c0_i32 = arith.constant 0 : i32
    %c0_i32_0 = arith.constant 0 : i32
    return %arg0, %c0_i32 : i32, i32
  }
  func.func @transform_18(%arg0: i32) -> (i32, i32) {
    %c0_i32 = arith.constant 0 : i32
    %c0_i32_0 = arith.constant 0 : i32
    return %arg0, %c0_i32 : i32, i32
  }
}

</mosaic_0001>

<sc_bundles>
// kernel: kernel.4.cloned.1.call-start
scs
__scs_entry_jumppad:
0x0: {  	(pc) =	sbr.rel $0x88, $3  }
0x1: {  	(tag) =	ssettag $0x0;
	lr =	simm.s32 $0x1  }
0x2: {  	[smem:$0x3F90] =	sst lr;
	_ =	strace $0xD0000000  }
0x3: {  	_ = 	snop  }
0x4: {  	_ = 	snop  }
0x5: {  	_ = 	snop  }
0x6: {  	_ = 	snop  }
0x7: {  	_ = 	snop  }
__scs_overlays_trampoline_lowered:
0x8: {  	[smem:$0x3F9F] =	sst s0  }
0x9: {  	[smem:$0x3FA0] =	sst s1  }
0xa: {  	[smem:$0x3FA1] =	sst s2  }
0xb: {  	[smem:$0x3FA2] =	sst s3  }
0xc: {  	[smem:$0x3FA3] =	sst s4  }
0xd: {  	[smem:$0x3FA4] =	sst s5  }
0xe: {  	[smem:$0x3FA5] =	sst s6  }
0xf: {  	[smem:$0x3FA6] =	sst s7  }
0x10: {  	[smem:$0x3FA7] =	sst s8  }
0x11: {  	[smem:$0x3FA8] =	sst s9;
	s0 =	simm.s32 @!p0 $0x0  }
0x12: {  	s1 =	sld [smem:$0x3F8E];
	s0 =	simm.s32 @p0 $0x1  }
0x13: {  	[smem:$0x3FA9] =	sst s0;
	s0 =	simm.s32 @!p1 $0x0  }
0x14: {  	s2 =	sld [smem:$0x3F8D];
	s0 =	simm.s32 @p1 $0x1  }
0x15: {  	[smem:$0x3FAA] =	sst s0;
	s0 =	simm.s32 @!p2 $0x0  }
0x16: {  	s3 =	sld [smem:$0x3FDB];
	s0 =	simm.s32 @p2 $0x1  }
0x17: {  	s4 =	simm.s32 $0x1BF5;
	[smem:$0x3FAC] =	sst s0  }
0x18: {  	s0 =	sld [smem:$0x3F8F];
	_ =	swait.ge [sflag:s4], $0x0  }
0x19: {  	s7 =	sld [smem:$0x3F90]  }
0x1a: {  	s8 =	sadd.s32 $0xFFFFE003, lr  }
0x1b: {  	s9 =	sadd.s32 $0xFFFFFEF7, lr;
	s5 =	simm.s32 $0xFFFFFFFF;
	p2 =	slt.u32 s8, $0xFFFFF086  }
0x1c: {  	p1 =	slt.u32 s9, $0xF7A;
	s5 =	simm.s32 @!p2 $0x0  }
0x1d: {  	s5 =	simm.s32 @p1 $0x1;
	p0 =	seq.s32 s7, s2  }
0x1e: {  	s7 =	smul.u32 @!p0 $0xF7A, s2;
	p2 =	seq.s32 @!p0 s5, $0x0  }
0x1f: {  	s9 =	smul.u32 $0xF7A, s1;
	s8 =	simm.s32 @!p0 $0x1BF5;
	p2 =	por !p2, p0  }
0x20: {  	[sflag:s8] =	ssyncset.s32 @!p0 $0xFFFFF086;
	s6 =	sadd.s32 @!p0 s3, s7;
	s7 =	simm.s32 @!p0 $0x108  }
0x21: {  	s3 =	sadd.s32 s3, s9;
	s6 =	sadd.s32 @!p0 $0x88, s6;
	s7 =	simm.s32 @p2 $0x1082  }
0x22: {  	[simem:s7], [sflag:s8] =	dma.local @!p0 [hbm:s6], $0xF7A  }
0x23: {  	s9 =	sor.u32 $0xD0000000, s2;
	s6 =	simm.s32 $0x108;
	_ =	swait.ge @!p0 [sflag:s8], $0x0  }
0x24: {  	s3 =	sadd.s32 $0x88, s3;
	s6 =	simm.s32 @!p1 $0x1082;
	[sflag:s4] =	ssyncset.s32 $0xFFFFF086  }
0x25: {  	[simem:s6], [sflag:s4] =	dma.local [hbm:s3], $0xF7A  }
0x26: {  	[smem:$0x3F90] =	sst s1;
	(tag) =	ssettag s2;
	_ =	strace s9  }
0x27: {  	s1 =	sld [smem:$0x3FA0]  }
0x28: {  	s2 =	sld [smem:$0x3FA1]  }
0x29: {  	s4 =	sld [smem:$0x3FA3]  }
0x2a: {  	p0 =	seq.s32 s5, $0x0;
	s5 =	sld [smem:$0x3FA4]  }
0x2b: {  	s6 =	sld [smem:$0x3FA5]  }
0x2c: {  	s7 =	sld [smem:$0x3FA6]  }
0x2d: {  	s3 =	simm.s32 $0x108;
	s8 =	sld [smem:$0x3FA7]  }
0x2e: {  	s3 =	simm.s32 @!p0 $0x1082;
	s9 =	sld [smem:$0x3FA8]  }
0x2f: {  	lr =	sadd.s32 s0, s3;
	s0 =	sld [smem:$0x3F9F]  }
0x30: {  	s3 =	sld [smem:$0x3FA2]  }
0x31: {  	[smem:$0x3FAB] =	sst s10  }
0x32: {  	s10 =	sld [smem:$0x3FA9];
	_ =	sdelay $0x3  }
0x33: {  	p0 =	seq.s32 s10, $0x1;
	s10 =	sld [smem:$0x3FAB];
	_ =	sdelay $0x3  }
0x34: {  	[smem:$0x3FAB] =	sst s10  }
0x35: {  	s10 =	sld [smem:$0x3FAA];
	_ =	sdelay $0x3  }
0x36: {  	p1 =	seq.s32 s10, $0x1;
	s10 =	sld [smem:$0x3FAB];
	_ =	sdelay $0x3  }
0x37: {  	[smem:$0x3FAB] =	sst s10  }
0x38: {  	s10 =	sld [smem:$0x3FAC]  }
0x39: {  	_ = 	snop;
	(pc) =	sbr.ind lr, $3  }
0x3a: {  	_ = 	snop  }
0x3b: {  	_ = 	snop  }
0x3c: {  	p2 =	seq.s32 s10, $0x1;
	s10 =	sld [smem:$0x3FAB]  }
0x3d: {  	_ =	shalt  }
0x3e: {  	_ =	shalt  }
0x3f: {  	_ =	shalt  }
0x40: {  	_ =	shalt  }
0x41: {  	_ =	shalt  }
0x42: {  	_ =	shalt  }
0x43: {  	_ =	shalt  }
0x44: {  	_ =	shalt  }
0x45: {  	_ =	shalt  }
0x46: {  	_ =	shalt  }
0x47: {  	_ =	shalt  }
0x48: {  	_ =	shalt  }
0x49: {  	_ =	shalt  }
0x4a: {  	_ =	shalt  }
0x4b: {  	_ =	shalt  }
0x4c: {  	_ =	shalt  }
0x4d: {  	_ =	shalt  }
0x4e: {  	_ =	shalt  }
0x4f: {  	_ =	shalt  }
0x50: {  	_ =	shalt  }
0x51: {  	_ =	shalt  }
0x52: {  	_ =	shalt  }
0x53: {  	_ =	shalt  }
0x54: {  	_ =	shalt  }
0x55: {  	_ =	shalt  }
0x56: {  	_ =	shalt  }
0x57: {  	_ =	shalt  }
0x58: {  	_ =	shalt  }
0x59: {  	_ =	shalt  }
0x5a: {  	_ =	shalt  }
0x5b: {  	_ =	shalt  }
0x5c: {  	_ =	shalt  }
0x5d: {  	_ =	shalt  }
0x5e: {  	_ =	shalt  }
0x5f: {  	_ =	shalt  }
0x60: {  	_ =	shalt  }
0x61: {  	_ =	shalt  }
0x62: {  	_ =	shalt  }
0x63: {  	_ =	shalt  }
0x64: {  	_ =	shalt  }
0x65: {  	_ =	shalt  }
0x66: {  	_ =	shalt  }
0x67: {  	_ =	shalt  }
0x68: {  	_ =	shalt  }
0x69: {  	_ =	shalt  }
0x6a: {  	_ =	shalt  }
0x6b: {  	_ =	shalt  }
0x6c: {  	_ =	shalt  }
0x6d: {  	_ =	shalt  }
0x6e: {  	_ =	shalt  }
0x6f: {  	_ =	shalt  }
0x70: {  	_ =	shalt  }
0x71: {  	_ =	shalt  }
0x72: {  	_ =	shalt  }
0x73: {  	_ =	shalt  }
0x74: {  	_ =	shalt  }
0x75: {  	_ =	shalt  }
0x76: {  	_ =	shalt  }
0x77: {  	_ =	shalt  }
0x78: {  	_ =	shalt  }
0x79: {  	_ =	shalt  }
0x7a: {  	_ =	shalt  }
0x7b: {  	_ =	shalt  }
0x7c: {  	_ =	shalt  }
0x7d: {  	_ =	shalt  }
0x7e: {  	_ =	shalt  }
0x7f: {  	_ =	shalt  }
0x80: {  	_ =	shalt  }
0x81: {  	_ =	shalt  }
0x82: {  	_ =	shalt  }
0x83: {  	_ =	shalt  }
0x84: {  	_ =	shalt  }
0x85: {  	_ =	shalt  }
0x86: {  	_ =	shalt  }
0x87: {  	_ =	shalt  }
.Lfunc_end0:
.L_simem_size_0:
called_computation_lowered:
.L_overlay_start_0:
0x88: {  	s2 =	sld [smem:$0x3FD9]  }
0x89: {  	s3 =	sld [smem:$0x3FFE];
	_ =	sdelay $0x1  }
0x8a: {  	s1 =	srdreg.scid  }
0x8b: {  	s0 =	sand.u32 $0x1, s1  }
0x8c: {  	s14 =	sshll.u32 s0, $0xA;
	s2 =	sadd.s32 s3, s2  }
0x8d: {  	s2 =	sadd.s32 s2, s14  }
0x8e: {  	[smem:$0x3FB7] =	sst s2  }
0x8f: {  	_ = 	snop  }
0x90: {  	s2 =	sld [smem:$0x3FD0];
	_ =	sdelay $0x2  }
0x91: {  	s15 =	simm.s32 $0xA;
	s4 =	simm.s32 $0x10  }
0x92: {  	[smem:s4], [sflag:s15] =	dma.local [hbm:s2], $0x1  }
0x93: {  	_ =	swait.eq [sflag:s15], $0x1  }
0x94: {  	[sflag:s15] =	ssyncset.done $0x0  }
0x95: {  	s16 =	sld [smem:$0x10];
	[sflag:s15] =	ssyncadd.s32 $0xFFFFFFFF  }
0x96: {  	s17 =	sld [smem:$0x11];
	(tm) =	ssettm $0x1  }
0x97: {  	s18 =	sld [smem:$0x3FFB];
	_ =	sdelay $0x3  }
0x98: {  	_ =	strace s18  }
0x99: {  	s4 =	sld [smem:$0x3FFC];
	_ =	sdelay $0x3  }
0x9a: {  	_ =	strace s4  }
0x9b: {  	s4 =	sld [smem:$0x3FFD];
	_ =	sdelay $0x3  }
0x9c: {  	_ =	strace s4  }
0x9d: {  	_ =	strace $0x8FFFFFFF  }
0x9e: {  	s19 =	sld [smem:$0x3FDB];
	_ =	sdelay $0x1  }
0x9f: {  	s5 =	simm.s32 $_scs_section_size  }
0xa0: {  	s6 =	simm.s32 $_size__tile_overlayer_lowered;
	s7 =	simm.s32 $_tile_overlayer_lowered  }
0xa1: {  	s22 =	simm.s32 $0x1BFF;
	s21 =	sshll.u32 s7, $0x1;
	s4 =	sadd.s32 s5, s19  }
0xa2: {  	s8 =	simm.s32 $0x0;
	s20 =	sshll.u32 s6, $0x1;
	s6 =	sadd.s32 s21, s4  }
0xa3: {  	[timem:s8], [sflag:s22] =	dma.local [hbm:s6], s20  }
0xa4: {  	_ =	swait.ge [sflag:s22], s20  }
0xa5: {  	s5 =	ssub.s32 $0x0, s20;
	[sflag:s22] =	ssyncset.done $0x0  }
0xa6: {  	[sflag:s22] =	ssyncadd.s32 s5;
	_ =	sdelay $0x1  }
0xa7: {  	s23 =	simm.s32 $0x1B8B  }
0xa8: {  	_ =	swait.ge [sflag:s23], $0x1  }
0xa9: {  	[sflag:s23] =	ssyncset.done $0x0  }
0xaa: {  	s25 =	simm.s32 $0x1B8E;
	s24 =	sld [smem:$0x3FFE];
	[sflag:s23] =	ssyncadd.s32 $0xFFFFFFFF  }
0xab: {  	s26 =	simm.s32 $execute0_lowered;
	[smem:$0x3FD2] =	sst s25  }
0xac: {  	s6 =	sshll.u32 s26, $0x1;
	_ =	strace $0x80000046;
	[dreg:$0x1] =	wrdreg $0xFFFFFFFF  }
0xad: {  	s28 =	simm.s32 $_size_execute0_lowered;
	s4 =	sadd.s32 s4, s6;
	[dreg:$0x0] =	wrdreg $0x0  }
0xae: {  	s6 =	sshll.u32 s28, $0x1;
	[dreg:$0x2] =	wrdreg s4  }
0xaf: {  	[dreg:$0x3] =	wrdreg s6  }
0xb0: {  	[dreg:$0x4] =	wrdreg $0xC0  }
0xb1: {  	_ =	task [dreg:s8], $0x5FFFF  }
0xb2: {  	[dreg:$0x1] =	wrdreg $0xFFFFFFFF  }
0xb3: {  	[dreg:$0x0] =	wrdreg $0x60  }
0xb4: {  	[dreg:$0x2] =	wrdreg s17  }
0xb5: {  	[dreg:$0x3] =	wrdreg s16  }
0xb6: {  	[dreg:$0x4] =	wrdreg s24  }
0xb7: {  	[dreg:$0x5] =	wrdreg $0x9  }
0xb8: {  	_ =	task.clear_ibuf [dreg:s8], $0x6FFFF;
	_ =	strace $0x90000046  }
0xb9: {  	s29 =	simm.s32 $0x9;
	_ =	strace $0x80000048  }
0xba: {  	_ =	swait.ge [sflag:s29], $0x1  }
0xbb: {  	[sflag:s29] =	ssyncadd.s32 $0xFFFFFFFF  }
0xbc: {  	_ =	strace $0x90000048  }
0xbd: {  	_ =	sfence  }
0xbe: {  	s30 =	sld [smem:$0x0];
	_ =	sdelay $0x2  }
0xbf: {  	s31 =	sshll.u32 s1, $0xD;
	s1 =	sshrl.u32 s1, $0x2  }
0xc0: {  	s3 =	sand.u32 $0x4000, s31;
	s1 =	sadd.s32 s1, s30  }
0xc1: {  	s0 =	sor.u32 s3, s0;
	s1 =	sshll.u32 s1, $0x11  }
0xc2: {  	s0 =	sor.u32 s1, s0  }
0xc3: {  	s0 =	sadd.s32 $0x8F2B, s0  }
0xc4: {  	[sflag:s0] =	ssyncadd.remote.s32 $0x1  }
0xc5: {  	_ =	sfence.sel $0xFFFF  }
0xc6: {  	[dreg:$0x0] =	wrdreg $0xFFFFFFFF;
	(pc) =	sbr.abs _section_cstart, $3  }
0xc7: {  	[dreg:$0x1] =	wrdreg $0xFFFFFFFF  }
0xc8: {  	_ =	task.clear_ibuf [dreg:s8], $0x2FFFF;
	_ =	strace $0x9FFFFFFF  }
0xc9: {  	(tm) =	ssettm $0x7FFFFFFF  }
tec
execute0_lowered:
.L_overlay_start_1:
0x0: {  	(tag) =	ssettag $0x1  }
0x1: {  	s1 =	rddreg [dreg:$0x0]  }
0x2: {  	s3 =	rddreg [dreg:$0x1]  }
0x3: {  	s5 =	rddreg [dreg:$0x2]  }
0x4: {  	s0 =	rddreg [dreg:$0x3];
	s6 =	srdreg.scid  }
0x5: {  	s2 =	stileid.u32;
	s4 =	simm.s32 $0x0;
	s17 =	simm.s32 $0x84D0  }
0x6: {  	s18 =	simm.s32 $0x1;
	s19 =	simm.s32 $0x3;
	s20 =	simm.s32 $0x2  }
0x7: {  	s21 =	simm.s32 $0x4;
	s22 =	simm.s32 $0x0;
	s12 =	smul.u32 $0x186A0, s2  }
0x8: {  	s10 =	sand.u32 $0x1, s6;
	s25 =	sshll.u32 s2, $0x1;
	s14 =	smul.u32 $0x61A80, s2  }
0x9: {  	[smem:$0x7FF] =	sst s4;
	s11 =	sadd.s32 $0x18A200, s5;
	s13 =	smul.u32 $0xC350, s10  }
0xa: {  	s6 =	sor.u32 s10, s25;
	s7 =	ssub.s32 $0x2, s10;
	s16 =	smul.u32 $0x30D40, s10  }
0xb: {  	_ =	strace $0x80000047;
	s8 =	smul.u32 $0xC350, s6;
	s26 =	sshrl.u32 s7, $0x1  }
0xc: {  	s9 =	smul.u32 $0x30D40, s6;
	s14 =	sadd.s32 s14, s11;
	s7 =	ssub.s32 s7, s26  }
0xd: {  	s13 =	sadd.s32 s13, s12;
	s28 =	sadd.s32 $0x3E8, s8;
	s29 =	sshrl.u32 s8, $0x3  }
0xe: {  	s9 =	sadd.s32 s11, s9;
	s7 =	smax.u32 s7, $0x1;
	s12 =	sshll.u32 s13, $0x2  }
0xf: {  	s15 =	sadd.s32 $0xBB8, s13;
	s13 =	sadd.s32 $0x7D0, s13;
	s30 =	sshrl.u32 s28, $0x3  }
0x10: {  	s5 =	sadd.s32 s3, s29;
	s8 =	sadd.s32 $0x2EE00, s9;
	s9 =	sadd.s32 $0x2FDA0, s9  }
0x11: {  	s12 =	sadd.s32 s11, s12;
	s31 =	sshrl.u32 s15, $0x3;
	s15 =	simm.s32 $0x3E8  }
0x12: {  	s6 =	sadd.s32 s3, s30;
	s10 =	sadd.s32 $0xFA0, s12;
	s11 =	sadd.s32 s31, s3  }
0x13: {  	s12 =	sadd.s32 s16, s14;
	s14 =	simm.s32 $0x5;
	s16 =	simm.s32 $0x7D0  }
.LBB2_1:
0x14: {  	[tilespmem:s4], [sflag:$0x5] =	stream.linear.gather [hbm4b:s5+s4], $0x3E8, $0x38;
	[tilespmem:$0x101D0] =	vst v63  }
0x15: {  	_ =	swait.ge [sflag:s14], $0x3E8  }
0x16: {  	[sflag:s14] =	ssyncset.done $0x0  }
0x17: {  	[sflag:s14] =	ssyncadd.s32 $0xFFFFFC18  }
0x18: {  	[tilespmem:s16], [sflag:$0x1] =	stream.indirect.gather [hbm4b:s1+s15], $0x20, s4, s15, $0xb8;
	[tilespmem:$0x101D0] =	vst v63  }
0x19: {  	_ = 	snop  }
0x1a: {  	[tilespmem:s15], [sflag:$0x5] =	stream.linear.gather [hbm4b:s6+s4], $0x3E8, $0x38;
	[tilespmem:$0x101D0] =	vst v63  }
0x1b: {  	_ =	swait.ge [sflag:s14], $0x3E8  }
0x1c: {  	[sflag:s14] =	ssyncset.done $0x0  }
0x1d: {  	[sflag:s14] =	ssyncadd.s32 $0xFFFFFC18  }
0x1e: {  	[tilespmem:s17], [sflag:$0x2] =	stream.indirect.gather [hbm4b:s1+s15], $0x20, s15, s15, $0xb8;
	[tilespmem:$0x101D0] =	vst v63  }
0x1f: {  	_ =	swait.ge [sflag:s18], $0x7D00  }
0x20: {  	[sflag:s18] =	ssyncset.done $0x0  }
0x21: {  	s23 =	sadd.s32 $0x0, s12;
	s24 =	sshrl.u32 s13, $0x3;
	[sflag:s18] =	ssyncadd.s32 $0xFFFF8300  }
0x22: {  	[hbm4b:s23+s4] =	stream.linear.scatter [tilespmem:s16], [sflag:$0x3], $0x7D00, $0x38;
	[tilespmem:$0x101D0] =	vst v63  }
0x23: {  	s30 =	sadd.s32 s3, s24  }
0x24: {  	[tilespmem:s4], [sflag:$0x5] =	stream.linear.gather [hbm4b:s30+s4], $0x3E8, $0x38;
	[tilespmem:$0x101D0] =	vst v63  }
0x25: {  	_ =	swait.ge [sflag:s14], $0x3E8  }
0x26: {  	[sflag:s14] =	ssyncset.done $0x0  }
0x27: {  	[sflag:s14] =	ssyncadd.s32 $0xFFFFFC18  }
0x28: {  	_ =	swait.ge [sflag:s19], $0x7D00  }
0x29: {  	[sflag:s19] =	ssyncset.done $0x0  }
0x2a: {  	[sflag:s19] =	ssyncadd.s32 $0xFFFF8300  }
0x2b: {  	[tilespmem:s16], [sflag:$0x1] =	stream.indirect.gather [hbm4b:s1+s15], $0x20, s4, s15, $0xb8;
	[tilespmem:$0x101D0] =	vst v63  }
0x2c: {  	_ =	swait.ge [sflag:s20], $0x7D00  }
0x2d: {  	[sflag:s20] =	ssyncset.done $0x0  }
0x2e: {  	s31 =	sadd.s32 $0x0, s10;
	[sflag:s20] =	ssyncadd.s32 $0xFFFF8300  }
0x2f: {  	[hbm4b:s31+s4] =	stream.linear.scatter [tilespmem:s17], [sflag:$0x4], $0x7D00, $0x38;
	[tilespmem:$0x101D0] =	vst v63  }
0x30: {  	_ = 	snop  }
0x31: {  	[tilespmem:s15], [sflag:$0x5] =	stream.linear.gather [hbm4b:s11+s4], $0x3E8, $0x38;
	[tilespmem:$0x101D0] =	vst v63  }
0x32: {  	_ =	swait.ge [sflag:s14], $0x3E8  }
0x33: {  	[sflag:s14] =	ssyncset.done $0x0  }
0x34: {  	[sflag:s14] =	ssyncadd.s32 $0xFFFFFC18  }
0x35: {  	_ =	swait.ge [sflag:s21], $0x7D00  }
0x36: {  	s25 =	sadd.s32 $0x7D0, s13;
	[sflag:s21] =	ssyncset.done $0x0  }
0x37: {  	s24 =	sadd.s32 $0xFA, s11;
	s23 =	simm.s32 $0x1F40;
	[sflag:s21] =	ssyncadd.s32 $0xFFFF8300  }
.LBB2_2:
0x38: {  	[tilespmem:s17], [sflag:$0x2] =	stream.indirect.gather [hbm4b:s1+s15], $0x20, s15, s15, $0xb8;
	[tilespmem:$0x101D0] =	vst v63  }
0x39: {  	s26 =	smov.u32 s23  }
0x3a: {  	p0 =	sne.s32 s23, $0x2CEC0;
	s23 =	sadd.s32 $0x1F40, s23;
	_ =	swait.ge [sflag:s18], $0x7D00  }
0x3b: {  	[sflag:s18] =	ssyncset.done $0x0  }
0x3c: {  	s29 =	sshrl.u32 s25, $0x3;
	s28 =	sadd.s32 s26, s12;
	[sflag:s18] =	ssyncadd.s32 $0xFFFF8300  }
0x3d: {  	[hbm4b:s28+s4] =	stream.linear.scatter [tilespmem:s16], [sflag:$0x3], $0x7D00, $0x38;
	[tilespmem:$0x101D0] =	vst v63  }
0x3e: {  	s28 =	sadd.s32 s3, s29  }
0x3f: {  	[tilespmem:s4], [sflag:$0x5] =	stream.linear.gather [hbm4b:s28+s4], $0x3E8, $0x38;
	[tilespmem:$0x101D0] =	vst v63  }
0x40: {  	_ =	swait.ge [sflag:s14], $0x3E8  }
0x41: {  	[sflag:s14] =	ssyncset.done $0x0  }
0x42: {  	[sflag:s14] =	ssyncadd.s32 $0xFFFFFC18  }
0x43: {  	_ =	swait.ge [sflag:s19], $0x7D00  }
0x44: {  	[sflag:s19] =	ssyncset.done $0x0  }
0x45: {  	[sflag:s19] =	ssyncadd.s32 $0xFFFF8300  }
0x46: {  	[tilespmem:s16], [sflag:$0x1] =	stream.indirect.gather [hbm4b:s1+s15], $0x20, s4, s15, $0xb8;
	[tilespmem:$0x101D0] =	vst v63  }
0x47: {  	_ =	swait.ge [sflag:s20], $0x7D00  }
0x48: {  	[sflag:s20] =	ssyncset.done $0x0  }
0x49: {  	s26 =	sadd.s32 s26, s10;
	[sflag:s20] =	ssyncadd.s32 $0xFFFF8300  }
0x4a: {  	[hbm4b:s26+s4] =	stream.linear.scatter [tilespmem:s17], [sflag:$0x4], $0x7D00, $0x38;
	[tilespmem:$0x101D0] =	vst v63  }
0x4b: {  	_ = 	snop  }
0x4c: {  	[tilespmem:s15], [sflag:$0x5] =	stream.linear.gather [hbm4b:s24+s4], $0x3E8, $0x38;
	[tilespmem:$0x101D0] =	vst v63  }
0x4d: {  	_ =	swait.ge [sflag:s14], $0x3E8  }
.Ltmp0:
0x4e: {  	[sflag:s14] =	ssyncset.done $0x0;
	(pc) =	sbr.rel @p0 .LBB2_2-.Ltmp0, $4  }
0x4f: {  	[sflag:s14] =	ssyncadd.s32 $0xFFFFFC18  }
0x50: {  	_ =	swait.ge [sflag:s21], $0x7D00  }
0x51: {  	[sflag:s21] =	ssyncset.done $0x0  }
0x52: {  	s25 =	sadd.s32 $0x7D0, s25;
	s24 =	sadd.s32 $0xFA, s24;
	[sflag:s21] =	ssyncadd.s32 $0xFFFF8300  }
0x53: {  	[tilespmem:s17], [sflag:$0x2] =	stream.indirect.gather [hbm4b:s1+s15], $0x20, s15, s15, $0xb8;
	[tilespmem:$0x101D0] =	vst v63  }
0x54: {  	_ =	swait.ge [sflag:s18], $0x7D00  }
0x55: {  	[sflag:s18] =	ssyncset.done $0x0  }
0x56: {  	[sflag:s18] =	ssyncadd.s32 $0xFFFF8300  }
0x57: {  	[hbm4b:s8+s4] =	stream.linear.scatter [tilespmem:s16], [sflag:$0x3], $0x7D00, $0x38;
	[tilespmem:$0x101D0] =	vst v63  }
0x58: {  	_ =	swait.ge [sflag:s19], $0x7D00  }
0x59: {  	[sflag:s19] =	ssyncset.done $0x0  }
0x5a: {  	[sflag:s19] =	ssyncadd.s32 $0xFFFF8300  }
0x5b: {  	s22 =	sadd.s32 $0x1, s22;
	_ =	swait.ge [sflag:s20], $0x7D00  }
0x5c: {  	p0 =	sne.s32 s22, s7;
	[sflag:s20] =	ssyncset.done $0x0  }
.Ltmp1:
0x5d: {  	[sflag:s20] =	ssyncadd.s32 $0xFFFF8300;
	(pc) =	sbr.rel @p0 .LBB2_1-.Ltmp1, $4  }
0x5e: {  	[hbm4b:s9+s4] =	stream.linear.scatter [tilespmem:s17], [sflag:$0x4], $0x7D00, $0x38;
	[tilespmem:$0x101D0] =	vst v63  }
0x5f: {  	_ =	swait.ge [sflag:s21], $0x7D00  }
0x60: {  	[sflag:s21] =	ssyncset.done $0x0  }
0x61: {  	[sflag:s21] =	ssyncadd.s32 $0xFFFF8300  }
0x62: {  	_ =	sfence.sel $0x180000  }
0x63: {  	[bflag:$0x0] =	sbarrier.arrive $0xFFFF  }
0x64: {  	p0 =	sne.s32 s2, $0x0;
	_ =	strace $0x90000047  }
0x65: {  	s0 =	sadd.s32 @!p0 $0x100000, s0;
	[bflag:$0x2] =	sbarrier.arrive $0xFFFF  }
0x66: {  	[sflag:s0] =	ssyncadd.tile.s32 @!p0 $0x1;
	_ =	shalt  }
.Lfunc_end2:
_tile_overlayer_lowered:
.L_overlay_start_2:
0x67: {  	(tag) =	ssettag $0x2  }
0x68: {  	s0 =	rddreg [dreg:$0x0];
	s2 =	stileid.u32  }
0x69: {  	s1 =	rddreg [dreg:$0x1];
	p0 =	sne.s32 s2, $0x0  }
0x6a: {  	s3 =	rddreg [dreg:$0x2];
	[bflag:$0x3] =	sbarrier.arrive $0xFFFF;
	s2 =	simm.s32 @!p0 $0x1C05  }
0x6b: {  	[timem:s3], [sflag:s2] =	dma.local @!p0 [hbm:s0], s1  }
0x6c: {  	s0 =	simm.s32 @!p0 $0x5  }
0x6d: {  	_ =	swait.ge @!p0 [sflag:s0], s1  }
0x6e: {  	s1 =	ssub.s32 @!p0 $0x0, s1;
	[sflag:s0] =	ssyncset.done @!p0 $0x0  }
0x6f: {  	[sflag:s0] =	ssyncadd.s32 @!p0 s1  }
0x70: {  	[bflag:$0x3] =	sbarrier.arrive $0xFFFF  }
0x71: {  	_ =	shalt  }

</sc_bundles>
